<compile_context>
chip_gen: v7x
topology: tpu7x:2x2x1
jax: 0.10.2.dev20260603
libtpu: 0.0.44.dev20260713+nightly
codegen_flags: <defaults>
</compile_context>

<pallas_src>
import functools

import jax
import jax.numpy as jnp
from jax import lax
from jax.experimental import pallas as pl
from jax.experimental.pallas import tpu as pltpu
from jax.experimental.pallas import tpu_sc as plsc

_NBUF = 4
_CH = 640
_LANES = 16
_TBK = 32768


@functools.cache
def _build_gather(B, VP, D):
    info = plsc.get_sparse_core_info()
    NC, NS = info.num_cores, info.num_subcores
    NW = NC * NS
    assert B % NW == 0
    b_per_w = B // NW

    CH, NBUF = _CH, _NBUF
    assert b_per_w % (CH * NBUF) == 0
    n_chunks = b_per_w // CH
    n_groups = n_chunks // NBUF

    mesh = plsc.VectorSubcoreMesh(core_axis_name="c", subcore_axis_name="s")

    @functools.partial(
        pl.kernel,
        mesh=mesh,
        out_type=jax.ShapeDtypeStruct((B, D), jnp.float32),
        scratch_types=[
            pltpu.VMEM((b_per_w,), jnp.int32),
            pltpu.VMEM((NBUF, CH, D), jnp.float32),
        ]
        + [pltpu.SemaphoreType.DMA] * (2 * NBUF),
        compiler_params=pltpu.CompilerParams(use_tc_tiling_on_sc=False),
    )
    def gather_kernel(idx_hbm, table_hbm, out_hbm, idx_v, rows_v, *sems):
        sem_g = sems[:NBUF]
        sem_s = sems[NBUF:]
        wid = lax.axis_index("s") * NC + lax.axis_index("c")
        base = wid * b_per_w

        pltpu.sync_copy(idx_hbm.at[pl.ds(base, b_per_w)], idx_v)

        L = _TBK.bit_length() - 1
        Q = _TBK // 4

        def expand(i, carry):
            v = idx_v[pl.ds(i * _LANES, _LANES)]
            m = ((v >> L) << L) + ((v & (Q - 1)) << 2) + ((v >> (L - 2)) & 3)
            idx_v[pl.ds(i * _LANES, _LANES)] = m
            return carry

        lax.fori_loop(0, b_per_w // _LANES, expand, 0)

        def start_gather(g, b):
            pltpu.async_copy(
                table_hbm.at[idx_v.at[pl.ds(g * CH, CH)]], rows_v.at[b], sem_g[b]
            )

        def wait_gather(b):
            pltpu.make_async_copy(
                table_hbm.at[idx_v.at[pl.ds(0, CH)]], rows_v.at[b], sem_g[b]
            ).wait()

        def start_store(g, b):
            pltpu.async_copy(
                rows_v.at[b], out_hbm.at[pl.ds(base + g * CH, CH)], sem_s[b]
            )

        def wait_store(b):
            pltpu.make_async_copy(
                rows_v.at[b], out_hbm.at[pl.ds(base, CH)], sem_s[b]
            ).wait()

        for b in range(NBUF):
            start_gather(b, b)
            if b >= 1:
                wait_gather(b - 1)
                start_store(b - 1, b - 1)

        def group(s, carry):
            g0 = s * NBUF
            for b in range(NBUF):
                g = g0 + b
                wait_store(b)
                start_gather(g, b)
                pb = (b - 1) % NBUF
                wait_gather(pb)
                start_store(g - 1, pb)
            return carry

        lax.fori_loop(1, n_groups, group, 0)

        last = n_chunks - 1
        lb = last % NBUF
        wait_gather(lb)
        start_store(last, lb)
        for b in range(NBUF):
            wait_store(b)

    return gather_kernel


@functools.cache
def _build_table_transpose(D, V):
    bk = _TBK
    nblk = pl.cdiv(V, bk)
    VP = nblk * bk
    q_per_blk = bk * D // 128
    nr = 128 // D

    def body(i_ref, o_ref):
        eye = jnp.eye(D, dtype=jnp.float32)
        for r in range(nr):
            o_ref[:, r * D:(r + 1) * D] = jax.lax.dot_general(
                i_ref[:, r * q_per_blk:(r + 1) * q_per_blk], eye,
                (((0,), (0,)), ((), ())),
                preferred_element_type=jnp.float32,
            )

    return VP, pl.pallas_call(
        body,
        grid=(nblk,),
        in_specs=[pl.BlockSpec((D, bk), lambda i: (0, i))],
        out_specs=pl.BlockSpec((q_per_blk, 128), lambda i: (i, 0)),
        out_shape=jax.ShapeDtypeStruct((VP * D // 128, 128), jnp.float32),
        compiler_params=pltpu.CompilerParams(vmem_limit_bytes=100663296),
    )


@functools.cache
def _build_out_transpose(S, B0, D):
    rows_per_s = B0 * D // 256
    nw = 256 // D
    cw = B0 // nw
    sblk = 4

    def body(i_ref, o_ref):
        eye = jnp.eye(D, dtype=jnp.float32)
        y = i_ref[...].reshape(sblk * rows_per_s, 256)
        for sl in range(sblk):
            ys = y[sl * rows_per_s:(sl + 1) * rows_per_s, :]
            for w in range(nw):
                yw = ys[:, w * D:(w + 1) * D]
                o_ref[sl, :, w * cw:(w + 1) * cw] = jax.lax.dot_general(
                    eye, yw, (((1,), (1,)), ((), ())),
                    preferred_element_type=jnp.float32,
                )

    return pl.pallas_call(
        body,
        grid=(S // sblk,),
        in_specs=[pl.BlockSpec((sblk * rows_per_s * 256,), lambda i: (i,))],
        out_specs=pl.BlockSpec((sblk, D, B0), lambda i: (i, 0, 0)),
        out_shape=jax.ShapeDtypeStruct((S, D, B0), jnp.float32),
        compiler_params=pltpu.CompilerParams(vmem_limit_bytes=100663296),
    )


def kernel(x, W):
    B0, S = x.shape
    V, D = W.shape
    B = B0 * S
    nw = 256 // D
    cw = B0 // nw

    xt = x.T.astype(jnp.int32)
    wt = W.T

    VP, table_tr = _build_table_transpose(D, V)
    w128 = table_tr(wt)

    xperm = xt.reshape(S, nw, cw).transpose(0, 2, 1).reshape(B)
    g2 = _build_gather(B, VP, D)(xperm, w128.reshape(VP, D))

    out_phys = _build_out_transpose(S, B0, D)(g2.reshape(B * D))
    return jnp.transpose(out_phys, (2, 0, 1))

# --- scband reference (transcript-rebuilt; emitter-appended) ---
"""Pipeline reference for scband-word2-vec-embedding-32796370272400 (READ-ONLY COPY).

The authoritative reference and input builder live on the scoring server;
editing this copy changes nothing except your own understanding.
"""

import jax, jax.numpy as jnp
import numpy as np


def setup_inputs(seed: int = 0) -> dict:
    key = jax.random.key(seed)
    k1, k2 = jax.random.split(key)
    x = jax.random.randint(k1, (4096, 200), 0, 1000000, dtype=jnp.int64 if jax.config.jax_enable_x64 else jnp.int32)
    W = jax.random.normal(k2, (1000000, 32), dtype=jnp.float32)
    return {"x": x, "W": W}


def reference(x, W):
    # K.gather(self.W, x) -> embedding lookup
    return jnp.take(W, x, axis=0)

if __name__ == "__main__":
    import jax
    _d = setup_inputs()
    print(jax.jit(kernel)(*tuple(_d.values())))

</pallas_src>

<mosaic_0001>
#map = affine_map<(d0, d1) -> (0)>
#map1 = affine_map<(d0, d1) -> (0, 0)>
module attributes {stable_mosaic.version = 14 : i64} {
  func.func @gather_kernel(%arg0: i32, %arg1: i32, %arg2: memref<819200xi32, #tpu.memory_space<hbm>>, %arg3: memref<1015808x32xf32, #tpu.memory_space<hbm>>, %arg4: memref<819200x32xf32, #tpu.memory_space<hbm>>, %arg5: memref<25600xi32, #tpu.memory_space<vmem>>, %arg6: memref<4x640x32xf32, #tpu.memory_space<vmem>>, %arg7: memref<!tpu.dma_semaphore, #tpu.memory_space<semaphore_mem>>, %arg8: memref<!tpu.dma_semaphore, #tpu.memory_space<semaphore_mem>>, %arg9: memref<!tpu.dma_semaphore, #tpu.memory_space<semaphore_mem>>, %arg10: memref<!tpu.dma_semaphore, #tpu.memory_space<semaphore_mem>>, %arg11: memref<!tpu.dma_semaphore, #tpu.memory_space<semaphore_mem>>, %arg12: memref<!tpu.dma_semaphore, #tpu.memory_space<semaphore_mem>>, %arg13: memref<!tpu.dma_semaphore, #tpu.memory_space<semaphore_mem>>, %arg14: memref<!tpu.dma_semaphore, #tpu.memory_space<semaphore_mem>>) attributes {dimension_semantics = [#tpu.dimension_semantics<core_parallel>, #tpu.dimension_semantics<subcore_parallel>], iteration_bounds = array<i64: 2, 16>, scalar_prefetch = 0 : i64, scratch_operands = 10 : i64, tpu.core_type = #tpu.core_type<sc_vector_subcore>, window_params = [{transform_indices = #map}, {transform_indices = #map1}, {transform_indices = #map1}]} {
    %mul3A = arith.constant 2 : i32
    %mul3A_0 = arith.muli %arg1, %mul3A : i32
    %add3A = arith.addi %mul3A_0, %arg0 : i32
    %mul3A_1 = arith.constant 25600 : i32
    %mul3A_2 = arith.muli %add3A, %mul3A_1 : i32
    "tpu.region"() ({
      %run_scoped3A = tpu.sem_alloc : memref<!tpu.dma_semaphore, #tpu.memory_space<semaphore_mem>>
      %dma_start3A_204 = tpu.memref_slice %arg2[%mul3A_2] : memref<819200xi32, #tpu.memory_space<hbm>> -> memref<25600xi32, #tpu.memory_space<hbm>>
      %dma_start3A_205 = tpu.memref_slice %arg2[%mul3A_2] : memref<819200xi32, #tpu.memory_space<hbm>> -> memref<25600xi32, #tpu.memory_space<hbm>>
      tpu.enqueue_dma source(%dma_start3A_205 : memref<25600xi32, #tpu.memory_space<hbm>>) target(%arg5 : memref<25600xi32, #tpu.memory_space<vmem>>) target_semaphore(%run_scoped3A : memref<!tpu.dma_semaphore, #tpu.memory_space<semaphore_mem>>)
      %dma_wait3A_206 = tpu.memref_slice %arg2[%mul3A_2] : memref<819200xi32, #tpu.memory_space<hbm>> -> memref<25600xi32, #tpu.memory_space<hbm>>
      %dma_wait3A_207 = tpu.memref_slice %arg2[%mul3A_2] : memref<819200xi32, #tpu.memory_space<hbm>> -> memref<25600xi32, #tpu.memory_space<hbm>>
      tpu.wait_dma2 semaphore(%run_scoped3A : memref<!tpu.dma_semaphore, #tpu.memory_space<semaphore_mem>>) src(%dma_wait3A_207 : memref<25600xi32, #tpu.memory_space<hbm>>) dst(%arg5 : memref<25600xi32, #tpu.memory_space<vmem>>)
      tpu.yield
    }) : () -> ()
    %scan3A = arith.constant 0 : i32
    %scan3A_3 = arith.constant 0 : i32
    %scan3A_4 = arith.constant 1600 : i32
    %scan3A_5 = arith.addi %scan3A_3, %scan3A_4 : i32
    %scan3A_6 = arith.constant 1 : i32
    scf.for %scan3A_204 = %scan3A_3 to %scan3A_5 step %scan3A_6  : i32 {
      %mul3A_205 = arith.constant 16 : i32
      %mul3A_206 = arith.muli %scan3A_204, %mul3A_205 : i32
      %get3A = arith.index_cast %mul3A_206 : i32 to index
      %get3A_207 = tpu.vector_load %arg5[%get3A] {strides = array<i32>} : memref<25600xi32, #tpu.memory_space<vmem>>, vector<16xi32>,
      %get3A_208 = vector.shape_cast %get3A_207 : vector<16xi32> to vector<16xi32>
      %shift_right_arithmetic3A = arith.constant 15 : i32
      %shift_right_arithmetic3A_209 = vector.broadcast %shift_right_arithmetic3A : i32 to vector<16xi32>
      %shift_right_arithmetic3A_210 = arith.shrsi %get3A_208, %shift_right_arithmetic3A_209 : vector<16xi32>
      %shift_left3A = arith.constant 15 : i32
      %shift_left3A_211 = vector.broadcast %shift_left3A : i32 to vector<16xi32>
      %shift_left3A_212 = arith.shli %shift_right_arithmetic3A_210, %shift_left3A_211 : vector<16xi32>
      %and3A = arith.constant 8191 : i32
      %and3A_213 = vector.broadcast %and3A : i32 to vector<16xi32>
      %and3A_214 = arith.andi %get3A_208, %and3A_213 : vector<16xi32>
      %shift_left3A_215 = arith.constant 2 : i32
      %shift_left3A_216 = vector.broadcast %shift_left3A_215 : i32 to vector<16xi32>
      %shift_left3A_217 = arith.shli %and3A_214, %shift_left3A_216 : vector<16xi32>
      %add3A_218 = arith.addi %shift_left3A_212, %shift_left3A_217 : vector<16xi32>
      %shift_right_arithmetic3A_219 = arith.constant 13 : i32
      %shift_right_arithmetic3A_220 = vector.broadcast %shift_right_arithmetic3A_219 : i32 to vector<16xi32>
      %shift_right_arithmetic3A_221 = arith.shrsi %get3A_208, %shift_right_arithmetic3A_220 : vector<16xi32>
      %and3A_222 = arith.constant 3 : i32
      %and3A_223 = vector.broadcast %and3A_222 : i32 to vector<16xi32>
      %and3A_224 = arith.andi %shift_right_arithmetic3A_221, %and3A_223 : vector<16xi32>
      %add3A_225 = arith.addi %add3A_218, %and3A_224 : vector<16xi32>
      %mul3A_226 = arith.constant 16 : i32
      %mul3A_227 = arith.muli %scan3A_204, %mul3A_226 : i32
      %swap3A = arith.index_cast %mul3A_227 : i32 to index
      %swap3A_228 = tpu.vector_load %arg5[%swap3A] {strides = array<i32>} : memref<25600xi32, #tpu.memory_space<vmem>>, vector<16xi32>,
      %swap3A_229 = vector.shape_cast %swap3A_228 : vector<16xi32> to vector<16xi32>
      %swap3A_230 = vector.shape_cast %add3A_225 : vector<16xi32> to vector<16xi32>
      tpu.vector_store %arg5[%swap3A], %swap3A_230 {strides = array<i32>} : memref<25600xi32, #tpu.memory_space<vmem>>, vector<16xi32>,
    }
    %scan3A_7 = arith.constant 1600 : i32
    %dma_start3A = arith.constant 0 : i32
    %dma_start3A_8 = arith.constant 0 : i32
    %dma_start3A_9 = arith.constant 0 : i32
    %dma_start3A_10 = tpu.memref_slice %arg6[%dma_start3A, %dma_start3A_8, %dma_start3A_9] : memref<4x640x32xf32, #tpu.memory_space<vmem>> -> memref<1x640x32xf32, #tpu.memory_space<vmem>>
    %dma_start3A_11 = tpu.memref_squeeze %dma_start3A_10 : memref<1x640x32xf32, #tpu.memory_space<vmem>> -> memref<640x32xf32, #tpu.memory_space<vmem>>
    %dma_start3A_12 = arith.constant 0 : i32
    %dma_start3A_13 = tpu.memref_slice %arg5[%dma_start3A_12] : memref<25600xi32, #tpu.memory_space<vmem>> -> memref<640xi32, #tpu.memory_space<vmem>>
    %dma_start3A_14 = arith.constant 0 : i32
    %dma_start3A_15 = arith.constant 0 : i32
    %dma_start3A_16 = tpu.memref_slice %arg3[%dma_start3A_14, %dma_start3A_15] : memref<1015808x32xf32, #tpu.memory_space<hbm>> -> memref<1015808x32xf32, #tpu.memory_space<hbm>>
    tpu.enqueue_indirect_dma source(%dma_start3A_16 : memref<1015808x32xf32, #tpu.memory_space<hbm>>) target(%dma_start3A_11 : memref<640x32xf32, #tpu.memory_space<vmem>>) offsets(%dma_start3A_13 : memref<640xi32, #tpu.memory_space<vmem>>) semaphore(%arg7 : memref<!tpu.dma_semaphore, #tpu.memory_space<semaphore_mem>>)
    %dma_start3A_17 = arith.constant 1 : i32
    %dma_start3A_18 = arith.constant 0 : i32
    %dma_start3A_19 = arith.constant 0 : i32
    %dma_start3A_20 = tpu.memref_slice %arg6[%dma_start3A_17, %dma_start3A_18, %dma_start3A_19] : memref<4x640x32xf32, #tpu.memory_space<vmem>> -> memref<1x640x32xf32, #tpu.memory_space<vmem>>
    %dma_start3A_21 = tpu.memref_squeeze %dma_start3A_20 : memref<1x640x32xf32, #tpu.memory_space<vmem>> -> memref<640x32xf32, #tpu.memory_space<vmem>>
    %dma_start3A_22 = arith.constant 640 : i32
    %dma_start3A_23 = tpu.memref_slice %arg5[%dma_start3A_22] : memref<25600xi32, #tpu.memory_space<vmem>> -> memref<640xi32, #tpu.memory_space<vmem>>
    %dma_start3A_24 = arith.constant 0 : i32
    %dma_start3A_25 = arith.constant 0 : i32
    %dma_start3A_26 = tpu.memref_slice %arg3[%dma_start3A_24, %dma_start3A_25] : memref<1015808x32xf32, #tpu.memory_space<hbm>> -> memref<1015808x32xf32, #tpu.memory_space<hbm>>
    tpu.enqueue_indirect_dma source(%dma_start3A_26 : memref<1015808x32xf32, #tpu.memory_space<hbm>>) target(%dma_start3A_21 : memref<640x32xf32, #tpu.memory_space<vmem>>) offsets(%dma_start3A_23 : memref<640xi32, #tpu.memory_space<vmem>>) semaphore(%arg8 : memref<!tpu.dma_semaphore, #tpu.memory_space<semaphore_mem>>)
    %dma_wait3A = arith.constant 0 : i32
    %dma_wait3A_27 = arith.constant 0 : i32
    %dma_wait3A_28 = arith.constant 0 : i32
    %dma_wait3A_29 = tpu.memref_slice %arg6[%dma_wait3A, %dma_wait3A_27, %dma_wait3A_28] : memref<4x640x32xf32, #tpu.memory_space<vmem>> -> memref<1x640x32xf32, #tpu.memory_space<vmem>>
    %dma_wait3A_30 = tpu.memref_squeeze %dma_wait3A_29 : memref<1x640x32xf32, #tpu.memory_space<vmem>> -> memref<640x32xf32, #tpu.memory_space<vmem>>
    %dma_wait3A_31 = arith.constant 0 : i32
    %dma_wait3A_32 = tpu.memref_slice %arg5[%dma_wait3A_31] : memref<25600xi32, #tpu.memory_space<vmem>> -> memref<640xi32, #tpu.memory_space<vmem>>
    %dma_wait3A_33 = arith.constant 0 : i32
    %dma_wait3A_34 = arith.constant 0 : i32
    %dma_wait3A_35 = tpu.memref_slice %arg3[%dma_wait3A_33, %dma_wait3A_34] : memref<1015808x32xf32, #tpu.memory_space<hbm>> -> memref<1015808x32xf32, #tpu.memory_space<hbm>>
    tpu.wait_indirect_dma semaphore(%arg7 : memref<!tpu.dma_semaphore, #tpu.memory_space<semaphore_mem>>) src(%dma_wait3A_35 : memref<1015808x32xf32, #tpu.memory_space<hbm>>) dst(%dma_wait3A_30 : memref<640x32xf32, #tpu.memory_space<vmem>>)
    %add3A_36 = arith.constant 0 : i32
    %add3A_37 = arith.addi %mul3A_2, %add3A_36 : i32
    %dma_start3A_38 = arith.constant 0 : i32
    %dma_start3A_39 = arith.constant 0 : i32
    %dma_start3A_40 = arith.constant 0 : i32
    %dma_start3A_41 = tpu.memref_slice %arg6[%dma_start3A_38, %dma_start3A_39, %dma_start3A_40] : memref<4x640x32xf32, #tpu.memory_space<vmem>> -> memref<1x640x32xf32, #tpu.memory_space<vmem>>
    %dma_start3A_42 = tpu.memref_squeeze %dma_start3A_41 : memref<1x640x32xf32, #tpu.memory_space<vmem>> -> memref<640x32xf32, #tpu.memory_space<vmem>>
    %dma_start3A_43 = arith.constant 0 : i32
    %dma_start3A_44 = tpu.memref_slice %arg4[%add3A_37, %dma_start3A_43] : memref<819200x32xf32, #tpu.memory_space<hbm>> -> memref<640x32xf32, #tpu.memory_space<hbm>>
    %dma_start3A_45 = arith.constant 0 : i32
    %dma_start3A_46 = tpu.memref_slice %arg4[%add3A_37, %dma_start3A_45] : memref<819200x32xf32, #tpu.memory_space<hbm>> -> memref<640x32xf32, #tpu.memory_space<hbm>>
    %dma_start3A_47 = arith.constant 0 : i32
    %dma_start3A_48 = arith.constant 0 : i32
    %dma_start3A_49 = tpu.memref_slice %arg6[%dma_start3A_38, %dma_start3A_47, %dma_start3A_48] : memref<4x640x32xf32, #tpu.memory_space<vmem>> -> memref<1x640x32xf32, #tpu.memory_space<vmem>>
    %dma_start3A_50 = tpu.memref_squeeze %dma_start3A_49 : memref<1x640x32xf32, #tpu.memory_space<vmem>> -> memref<640x32xf32, #tpu.memory_space<vmem>>
    tpu.enqueue_dma source(%dma_start3A_50 : memref<640x32xf32, #tpu.memory_space<vmem>>) target(%dma_start3A_46 : memref<640x32xf32, #tpu.memory_space<hbm>>) target_semaphore(%arg11 : memref<!tpu.dma_semaphore, #tpu.memory_space<semaphore_mem>>)
    %dma_start3A_51 = arith.constant 2 : i32
    %dma_start3A_52 = arith.constant 0 : i32
    %dma_start3A_53 = arith.constant 0 : i32
    %dma_start3A_54 = tpu.memref_slice %arg6[%dma_start3A_51, %dma_start3A_52, %dma_start3A_53] : memref<4x640x32xf32, #tpu.memory_space<vmem>> -> memref<1x640x32xf32, #tpu.memory_space<vmem>>
    %dma_start3A_55 = tpu.memref_squeeze %dma_start3A_54 : memref<1x640x32xf32, #tpu.memory_space<vmem>> -> memref<640x32xf32, #tpu.memory_space<vmem>>
    %dma_start3A_56 = arith.constant 1280 : i32
    %dma_start3A_57 = tpu.memref_slice %arg5[%dma_start3A_56] : memref<25600xi32, #tpu.memory_space<vmem>> -> memref<640xi32, #tpu.memory_space<vmem>>
    %dma_start3A_58 = arith.constant 0 : i32
    %dma_start3A_59 = arith.constant 0 : i32
    %dma_start3A_60 = tpu.memref_slice %arg3[%dma_start3A_58, %dma_start3A_59] : memref<1015808x32xf32, #tpu.memory_space<hbm>> -> memref<1015808x32xf32, #tpu.memory_space<hbm>>
    tpu.enqueue_indirect_dma source(%dma_start3A_60 : memref<1015808x32xf32, #tpu.memory_space<hbm>>) target(%dma_start3A_55 : memref<640x32xf32, #tpu.memory_space<vmem>>) offsets(%dma_start3A_57 : memref<640xi32, #tpu.memory_space<vmem>>) semaphore(%arg9 : memref<!tpu.dma_semaphore, #tpu.memory_space<semaphore_mem>>)
    %dma_wait3A_61 = arith.constant 1 : i32
    %dma_wait3A_62 = arith.constant 0 : i32
    %dma_wait3A_63 = arith.constant 0 : i32
    %dma_wait3A_64 = tpu.memref_slice %arg6[%dma_wait3A_61, %dma_wait3A_62, %dma_wait3A_63] : memref<4x640x32xf32, #tpu.memory_space<vmem>> -> memref<1x640x32xf32, #tpu.memory_space<vmem>>
    %dma_wait3A_65 = tpu.memref_squeeze %dma_wait3A_64 : memref<1x640x32xf32, #tpu.memory_space<vmem>> -> memref<640x32xf32, #tpu.memory_space<vmem>>
    %dma_wait3A_66 = arith.constant 0 : i32
    %dma_wait3A_67 = tpu.memref_slice %arg5[%dma_wait3A_66] : memref<25600xi32, #tpu.memory_space<vmem>> -> memref<640xi32, #tpu.memory_space<vmem>>
    %dma_wait3A_68 = arith.constant 0 : i32
    %dma_wait3A_69 = arith.constant 0 : i32
    %dma_wait3A_70 = tpu.memref_slice %arg3[%dma_wait3A_68, %dma_wait3A_69] : memref<1015808x32xf32, #tpu.memory_space<hbm>> -> memref<1015808x32xf32, #tpu.memory_space<hbm>>
    tpu.wait_indirect_dma semaphore(%arg8 : memref<!tpu.dma_semaphore, #tpu.memory_space<semaphore_mem>>) src(%dma_wait3A_70 : memref<1015808x32xf32, #tpu.memory_space<hbm>>) dst(%dma_wait3A_65 : memref<640x32xf32, #tpu.memory_space<vmem>>)
    %add3A_71 = arith.constant 640 : i32
    %add3A_72 = arith.addi %mul3A_2, %add3A_71 : i32
    %dma_start3A_73 = arith.constant 1 : i32
    %dma_start3A_74 = arith.constant 0 : i32
    %dma_start3A_75 = arith.constant 0 : i32
    %dma_start3A_76 = tpu.memref_slice %arg6[%dma_start3A_73, %dma_start3A_74, %dma_start3A_75] : memref<4x640x32xf32, #tpu.memory_space<vmem>> -> memref<1x640x32xf32, #tpu.memory_space<vmem>>
    %dma_start3A_77 = tpu.memref_squeeze %dma_start3A_76 : memref<1x640x32xf32, #tpu.memory_space<vmem>> -> memref<640x32xf32, #tpu.memory_space<vmem>>
    %dma_start3A_78 = arith.constant 0 : i32
    %dma_start3A_79 = tpu.memref_slice %arg4[%add3A_72, %dma_start3A_78] : memref<819200x32xf32, #tpu.memory_space<hbm>> -> memref<640x32xf32, #tpu.memory_space<hbm>>
    %dma_start3A_80 = arith.constant 0 : i32
    %dma_start3A_81 = tpu.memref_slice %arg4[%add3A_72, %dma_start3A_80] : memref<819200x32xf32, #tpu.memory_space<hbm>> -> memref<640x32xf32, #tpu.memory_space<hbm>>
    %dma_start3A_82 = arith.constant 0 : i32
    %dma_start3A_83 = arith.constant 0 : i32
    %dma_start3A_84 = tpu.memref_slice %arg6[%dma_start3A_73, %dma_start3A_82, %dma_start3A_83] : memref<4x640x32xf32, #tpu.memory_space<vmem>> -> memref<1x640x32xf32, #tpu.memory_space<vmem>>
    %dma_start3A_85 = tpu.memref_squeeze %dma_start3A_84 : memref<1x640x32xf32, #tpu.memory_space<vmem>> -> memref<640x32xf32, #tpu.memory_space<vmem>>
    tpu.enqueue_dma source(%dma_start3A_85 : memref<640x32xf32, #tpu.memory_space<vmem>>) target(%dma_start3A_81 : memref<640x32xf32, #tpu.memory_space<hbm>>) target_semaphore(%arg12 : memref<!tpu.dma_semaphore, #tpu.memory_space<semaphore_mem>>)
    %dma_start3A_86 = arith.constant 3 : i32
    %dma_start3A_87 = arith.constant 0 : i32
    %dma_start3A_88 = arith.constant 0 : i32
    %dma_start3A_89 = tpu.memref_slice %arg6[%dma_start3A_86, %dma_start3A_87, %dma_start3A_88] : memref<4x640x32xf32, #tpu.memory_space<vmem>> -> memref<1x640x32xf32, #tpu.memory_space<vmem>>
    %dma_start3A_90 = tpu.memref_squeeze %dma_start3A_89 : memref<1x640x32xf32, #tpu.memory_space<vmem>> -> memref<640x32xf32, #tpu.memory_space<vmem>>
    %dma_start3A_91 = arith.constant 1920 : i32
    %dma_start3A_92 = tpu.memref_slice %arg5[%dma_start3A_91] : memref<25600xi32, #tpu.memory_space<vmem>> -> memref<640xi32, #tpu.memory_space<vmem>>
    %dma_start3A_93 = arith.constant 0 : i32
    %dma_start3A_94 = arith.constant 0 : i32
    %dma_start3A_95 = tpu.memref_slice %arg3[%dma_start3A_93, %dma_start3A_94] : memref<1015808x32xf32, #tpu.memory_space<hbm>> -> memref<1015808x32xf32, #tpu.memory_space<hbm>>
    tpu.enqueue_indirect_dma source(%dma_start3A_95 : memref<1015808x32xf32, #tpu.memory_space<hbm>>) target(%dma_start3A_90 : memref<640x32xf32, #tpu.memory_space<vmem>>) offsets(%dma_start3A_92 : memref<640xi32, #tpu.memory_space<vmem>>) semaphore(%arg10 : memref<!tpu.dma_semaphore, #tpu.memory_space<semaphore_mem>>)
    %dma_wait3A_96 = arith.constant 2 : i32
    %dma_wait3A_97 = arith.constant 0 : i32
    %dma_wait3A_98 = arith.constant 0 : i32
    %dma_wait3A_99 = tpu.memref_slice %arg6[%dma_wait3A_96, %dma_wait3A_97, %dma_wait3A_98] : memref<4x640x32xf32, #tpu.memory_space<vmem>> -> memref<1x640x32xf32, #tpu.memory_space<vmem>>
    %dma_wait3A_100 = tpu.memref_squeeze %dma_wait3A_99 : memref<1x640x32xf32, #tpu.memory_space<vmem>> -> memref<640x32xf32, #tpu.memory_space<vmem>>
    %dma_wait3A_101 = arith.constant 0 : i32
    %dma_wait3A_102 = tpu.memref_slice %arg5[%dma_wait3A_101] : memref<25600xi32, #tpu.memory_space<vmem>> -> memref<640xi32, #tpu.memory_space<vmem>>
    %dma_wait3A_103 = arith.constant 0 : i32
    %dma_wait3A_104 = arith.constant 0 : i32
    %dma_wait3A_105 = tpu.memref_slice %arg3[%dma_wait3A_103, %dma_wait3A_104] : memref<1015808x32xf32, #tpu.memory_space<hbm>> -> memref<1015808x32xf32, #tpu.memory_space<hbm>>
    tpu.wait_indirect_dma semaphore(%arg9 : memref<!tpu.dma_semaphore, #tpu.memory_space<semaphore_mem>>) src(%dma_wait3A_105 : memref<1015808x32xf32, #tpu.memory_space<hbm>>) dst(%dma_wait3A_100 : memref<640x32xf32, #tpu.memory_space<vmem>>)
    %add3A_106 = arith.constant 1280 : i32
    %add3A_107 = arith.addi %mul3A_2, %add3A_106 : i32
    %dma_start3A_108 = arith.constant 2 : i32
    %dma_start3A_109 = arith.constant 0 : i32
    %dma_start3A_110 = arith.constant 0 : i32
    %dma_start3A_111 = tpu.memref_slice %arg6[%dma_start3A_108, %dma_start3A_109, %dma_start3A_110] : memref<4x640x32xf32, #tpu.memory_space<vmem>> -> memref<1x640x32xf32, #tpu.memory_space<vmem>>
    %dma_start3A_112 = tpu.memref_squeeze %dma_start3A_111 : memref<1x640x32xf32, #tpu.memory_space<vmem>> -> memref<640x32xf32, #tpu.memory_space<vmem>>
    %dma_start3A_113 = arith.constant 0 : i32
    %dma_start3A_114 = tpu.memref_slice %arg4[%add3A_107, %dma_start3A_113] : memref<819200x32xf32, #tpu.memory_space<hbm>> -> memref<640x32xf32, #tpu.memory_space<hbm>>
    %dma_start3A_115 = arith.constant 0 : i32
    %dma_start3A_116 = tpu.memref_slice %arg4[%add3A_107, %dma_start3A_115] : memref<819200x32xf32, #tpu.memory_space<hbm>> -> memref<640x32xf32, #tpu.memory_space<hbm>>
    %dma_start3A_117 = arith.constant 0 : i32
    %dma_start3A_118 = arith.constant 0 : i32
    %dma_start3A_119 = tpu.memref_slice %arg6[%dma_start3A_108, %dma_start3A_117, %dma_start3A_118] : memref<4x640x32xf32, #tpu.memory_space<vmem>> -> memref<1x640x32xf32, #tpu.memory_space<vmem>>
    %dma_start3A_120 = tpu.memref_squeeze %dma_start3A_119 : memref<1x640x32xf32, #tpu.memory_space<vmem>> -> memref<640x32xf32, #tpu.memory_space<vmem>>
    tpu.enqueue_dma source(%dma_start3A_120 : memref<640x32xf32, #tpu.memory_space<vmem>>) target(%dma_start3A_116 : memref<640x32xf32, #tpu.memory_space<hbm>>) target_semaphore(%arg13 : memref<!tpu.dma_semaphore, #tpu.memory_space<semaphore_mem>>)
    %scan3A_121 = arith.constant 0 : i32
    %scan3A_122 = arith.constant 1 : i32
    %scan3A_123 = arith.constant 9 : i32
    %scan3A_124 = arith.addi %scan3A_122, %scan3A_123 : i32
    %scan3A_125 = arith.constant 1 : i32
    scf.for %scan3A_204 = %scan3A_122 to %scan3A_124 step %scan3A_125  : i32 {
      %mul3A_205 = arith.constant 4 : i32
      %mul3A_206 = arith.muli %scan3A_204, %mul3A_205 : i32
      %add3A_207 = arith.constant 0 : i32
      %add3A_208 = arith.addi %mul3A_206, %add3A_207 : i32
      %dma_wait3A_209 = arith.constant 0 : i32
      %dma_wait3A_210 = arith.constant 0 : i32
      %dma_wait3A_211 = arith.constant 0 : i32
      %dma_wait3A_212 = tpu.memref_slice %arg6[%dma_wait3A_209, %dma_wait3A_210, %dma_wait3A_211] : memref<4x640x32xf32, #tpu.memory_space<vmem>> -> memref<1x640x32xf32, #tpu.memory_space<vmem>>
      %dma_wait3A_213 = tpu.memref_squeeze %dma_wait3A_212 : memref<1x640x32xf32, #tpu.memory_space<vmem>> -> memref<640x32xf32, #tpu.memory_space<vmem>>
      %dma_wait3A_214 = arith.constant 0 : i32
      %dma_wait3A_215 = tpu.memref_slice %arg4[%mul3A_2, %dma_wait3A_214] : memref<819200x32xf32, #tpu.memory_space<hbm>> -> memref<640x32xf32, #tpu.memory_space<hbm>>
      %dma_wait3A_216 = arith.constant 0 : i32
      %dma_wait3A_217 = tpu.memref_slice %arg4[%mul3A_2, %dma_wait3A_216] : memref<819200x32xf32, #tpu.memory_space<hbm>> -> memref<640x32xf32, #tpu.memory_space<hbm>>
      %dma_wait3A_218 = arith.constant 0 : i32
      %dma_wait3A_219 = arith.constant 0 : i32
      %dma_wait3A_220 = tpu.memref_slice %arg6[%dma_wait3A_209, %dma_wait3A_218, %dma_wait3A_219] : memref<4x640x32xf32, #tpu.memory_space<vmem>> -> memref<1x640x32xf32, #tpu.memory_space<vmem>>
      %dma_wait3A_221 = tpu.memref_squeeze %dma_wait3A_220 : memref<1x640x32xf32, #tpu.memory_space<vmem>> -> memref<640x32xf32, #tpu.memory_space<vmem>>
      tpu.wait_dma2 semaphore(%arg11 : memref<!tpu.dma_semaphore, #tpu.memory_space<semaphore_mem>>) src(%dma_wait3A_221 : memref<640x32xf32, #tpu.memory_space<vmem>>) dst(%dma_wait3A_217 : memref<640x32xf32, #tpu.memory_space<hbm>>)
      %mul3A_222 = arith.constant 640 : i32
      %mul3A_223 = arith.muli %add3A_208, %mul3A_222 : i32
      %dma_start3A_224 = arith.constant 0 : i32
      %dma_start3A_225 = arith.constant 0 : i32
      %dma_start3A_226 = arith.constant 0 : i32
      %dma_start3A_227 = tpu.memref_slice %arg6[%dma_start3A_224, %dma_start3A_225, %dma_start3A_226] : memref<4x640x32xf32, #tpu.memory_space<vmem>> -> memref<1x640x32xf32, #tpu.memory_space<vmem>>
      %dma_start3A_228 = tpu.memref_squeeze %dma_start3A_227 : memref<1x640x32xf32, #tpu.memory_space<vmem>> -> memref<640x32xf32, #tpu.memory_space<vmem>>
      %dma_start3A_229 = tpu.memref_slice %arg5[%mul3A_223] : memref<25600xi32, #tpu.memory_space<vmem>> -> memref<640xi32, #tpu.memory_space<vmem>>
      %dma_start3A_230 = arith.constant 0 : i32
      %dma_start3A_231 = arith.constant 0 : i32
      %dma_start3A_232 = tpu.memref_slice %arg3[%dma_start3A_230, %dma_start3A_231] : memref<1015808x32xf32, #tpu.memory_space<hbm>> -> memref<1015808x32xf32, #tpu.memory_space<hbm>>
      tpu.enqueue_indirect_dma source(%dma_start3A_232 : memref<1015808x32xf32, #tpu.memory_space<hbm>>) target(%dma_start3A_228 : memref<640x32xf32, #tpu.memory_space<vmem>>) offsets(%dma_start3A_229 : memref<640xi32, #tpu.memory_space<vmem>>) semaphore(%arg7 : memref<!tpu.dma_semaphore, #tpu.memory_space<semaphore_mem>>)
      %dma_wait3A_233 = arith.constant 3 : i32
      %dma_wait3A_234 = arith.constant 0 : i32
      %dma_wait3A_235 = arith.constant 0 : i32
      %dma_wait3A_236 = tpu.memref_slice %arg6[%dma_wait3A_233, %dma_wait3A_234, %dma_wait3A_235] : memref<4x640x32xf32, #tpu.memory_space<vmem>> -> memref<1x640x32xf32, #tpu.memory_space<vmem>>
      %dma_wait3A_237 = tpu.memref_squeeze %dma_wait3A_236 : memref<1x640x32xf32, #tpu.memory_space<vmem>> -> memref<640x32xf32, #tpu.memory_space<vmem>>
      %dma_wait3A_238 = arith.constant 0 : i32
      %dma_wait3A_239 = tpu.memref_slice %arg5[%dma_wait3A_238] : memref<25600xi32, #tpu.memory_space<vmem>> -> memref<640xi32, #tpu.memory_space<vmem>>
      %dma_wait3A_240 = arith.constant 0 : i32
      %dma_wait3A_241 = arith.constant 0 : i32
      %dma_wait3A_242 = tpu.memref_slice %arg3[%dma_wait3A_240, %dma_wait3A_241] : memref<1015808x32xf32, #tpu.memory_space<hbm>> -> memref<1015808x32xf32, #tpu.memory_space<hbm>>
      tpu.wait_indirect_dma semaphore(%arg10 : memref<!tpu.dma_semaphore, #tpu.memory_space<semaphore_mem>>) src(%dma_wait3A_242 : memref<1015808x32xf32, #tpu.memory_space<hbm>>) dst(%dma_wait3A_237 : memref<640x32xf32, #tpu.memory_space<vmem>>)
      %sub3A = arith.constant 1 : i32
      %sub3A_243 = arith.subi %add3A_208, %sub3A : i32
      %mul3A_244 = arith.constant 640 : i32
      %mul3A_245 = arith.muli %sub3A_243, %mul3A_244 : i32
      %add3A_246 = arith.addi %mul3A_2, %mul3A_245 : i32
      %dma_start3A_247 = arith.constant 3 : i32
      %dma_start3A_248 = arith.constant 0 : i32
      %dma_start3A_249 = arith.constant 0 : i32
      %dma_start3A_250 = tpu.memref_slice %arg6[%dma_start3A_247, %dma_start3A_248, %dma_start3A_249] : memref<4x640x32xf32, #tpu.memory_space<vmem>> -> memref<1x640x32xf32, #tpu.memory_space<vmem>>
      %dma_start3A_251 = tpu.memref_squeeze %dma_start3A_250 : memref<1x640x32xf32, #tpu.memory_space<vmem>> -> memref<640x32xf32, #tpu.memory_space<vmem>>
      %dma_start3A_252 = arith.constant 0 : i32
      %dma_start3A_253 = tpu.memref_slice %arg4[%add3A_246, %dma_start3A_252] : memref<819200x32xf32, #tpu.memory_space<hbm>> -> memref<640x32xf32, #tpu.memory_space<hbm>>
      %dma_start3A_254 = arith.constant 0 : i32
      %dma_start3A_255 = tpu.memref_slice %arg4[%add3A_246, %dma_start3A_254] : memref<819200x32xf32, #tpu.memory_space<hbm>> -> memref<640x32xf32, #tpu.memory_space<hbm>>
      %dma_start3A_256 = arith.constant 0 : i32
      %dma_start3A_257 = arith.constant 0 : i32
      %dma_start3A_258 = tpu.memref_slice %arg6[%dma_start3A_247, %dma_start3A_256, %dma_start3A_257] : memref<4x640x32xf32, #tpu.memory_space<vmem>> -> memref<1x640x32xf32, #tpu.memory_space<vmem>>
      %dma_start3A_259 = tpu.memref_squeeze %dma_start3A_258 : memref<1x640x32xf32, #tpu.memory_space<vmem>> -> memref<640x32xf32, #tpu.memory_space<vmem>>
      tpu.enqueue_dma source(%dma_start3A_259 : memref<640x32xf32, #tpu.memory_space<vmem>>) target(%dma_start3A_255 : memref<640x32xf32, #tpu.memory_space<hbm>>) target_semaphore(%arg14 : memref<!tpu.dma_semaphore, #tpu.memory_space<semaphore_mem>>)
      %add3A_260 = arith.constant 1 : i32
      %add3A_261 = arith.addi %mul3A_206, %add3A_260 : i32
      %dma_wait3A_262 = arith.constant 1 : i32
      %dma_wait3A_263 = arith.constant 0 : i32
      %dma_wait3A_264 = arith.constant 0 : i32
      %dma_wait3A_265 = tpu.memref_slice %arg6[%dma_wait3A_262, %dma_wait3A_263, %dma_wait3A_264] : memref<4x640x32xf32, #tpu.memory_space<vmem>> -> memref<1x640x32xf32, #tpu.memory_space<vmem>>
      %dma_wait3A_266 = tpu.memref_squeeze %dma_wait3A_265 : memref<1x640x32xf32, #tpu.memory_space<vmem>> -> memref<640x32xf32, #tpu.memory_space<vmem>>
      %dma_wait3A_267 = arith.constant 0 : i32
      %dma_wait3A_268 = tpu.memref_slice %arg4[%mul3A_2, %dma_wait3A_267] : memref<819200x32xf32, #tpu.memory_space<hbm>> -> memref<640x32xf32, #tpu.memory_space<hbm>>
      %dma_wait3A_269 = arith.constant 0 : i32
      %dma_wait3A_270 = tpu.memref_slice %arg4[%mul3A_2, %dma_wait3A_269] : memref<819200x32xf32, #tpu.memory_space<hbm>> -> memref<640x32xf32, #tpu.memory_space<hbm>>
      %dma_wait3A_271 = arith.constant 0 : i32
      %dma_wait3A_272 = arith.constant 0 : i32
      %dma_wait3A_273 = tpu.memref_slice %arg6[%dma_wait3A_262, %dma_wait3A_271, %dma_wait3A_272] : memref<4x640x32xf32, #tpu.memory_space<vmem>> -> memref<1x640x32xf32, #tpu.memory_space<vmem>>
      %dma_wait3A_274 = tpu.memref_squeeze %dma_wait3A_273 : memref<1x640x32xf32, #tpu.memory_space<vmem>> -> memref<640x32xf32, #tpu.memory_space<vmem>>
      tpu.wait_dma2 semaphore(%arg12 : memref<!tpu.dma_semaphore, #tpu.memory_space<semaphore_mem>>) src(%dma_wait3A_274 : memref<640x32xf32, #tpu.memory_space<vmem>>) dst(%dma_wait3A_270 : memref<640x32xf32, #tpu.memory_space<hbm>>)
      %mul3A_275 = arith.constant 640 : i32
      %mul3A_276 = arith.muli %add3A_261, %mul3A_275 : i32
      %dma_start3A_277 = arith.constant 1 : i32
      %dma_start3A_278 = arith.constant 0 : i32
      %dma_start3A_279 = arith.constant 0 : i32
      %dma_start3A_280 = tpu.memref_slice %arg6[%dma_start3A_277, %dma_start3A_278, %dma_start3A_279] : memref<4x640x32xf32, #tpu.memory_space<vmem>> -> memref<1x640x32xf32, #tpu.memory_space<vmem>>
      %dma_start3A_281 = tpu.memref_squeeze %dma_start3A_280 : memref<1x640x32xf32, #tpu.memory_space<vmem>> -> memref<640x32xf32, #tpu.memory_space<vmem>>
      %dma_start3A_282 = tpu.memref_slice %arg5[%mul3A_276] : memref<25600xi32, #tpu.memory_space<vmem>> -> memref<640xi32, #tpu.memory_space<vmem>>
      %dma_start3A_283 = arith.constant 0 : i32
      %dma_start3A_284 = arith.constant 0 : i32
      %dma_start3A_285 = tpu.memref_slice %arg3[%dma_start3A_283, %dma_start3A_284] : memref<1015808x32xf32, #tpu.memory_space<hbm>> -> memref<1015808x32xf32, #tpu.memory_space<hbm>>
      tpu.enqueue_indirect_dma source(%dma_start3A_285 : memref<1015808x32xf32, #tpu.memory_space<hbm>>) target(%dma_start3A_281 : memref<640x32xf32, #tpu.memory_space<vmem>>) offsets(%dma_start3A_282 : memref<640xi32, #tpu.memory_space<vmem>>) semaphore(%arg8 : memref<!tpu.dma_semaphore, #tpu.memory_space<semaphore_mem>>)
      %dma_wait3A_286 = arith.constant 0 : i32
      %dma_wait3A_287 = arith.constant 0 : i32
      %dma_wait3A_288 = arith.constant 0 : i32
      %dma_wait3A_289 = tpu.memref_slice %arg6[%dma_wait3A_286, %dma_wait3A_287, %dma_wait3A_288] : memref<4x640x32xf32, #tpu.memory_space<vmem>> -> memref<1x640x32xf32, #tpu.memory_space<vmem>>
      %dma_wait3A_290 = tpu.memref_squeeze %dma_wait3A_289 : memref<1x640x32xf32, #tpu.memory_space<vmem>> -> memref<640x32xf32, #tpu.memory_space<vmem>>
      %dma_wait3A_291 = arith.constant 0 : i32
      %dma_wait3A_292 = tpu.memref_slice %arg5[%dma_wait3A_291] : memref<25600xi32, #tpu.memory_space<vmem>> -> memref<640xi32, #tpu.memory_space<vmem>>
      %dma_wait3A_293 = arith.constant 0 : i32
      %dma_wait3A_294 = arith.constant 0 : i32
      %dma_wait3A_295 = tpu.memref_slice %arg3[%dma_wait3A_293, %dma_wait3A_294] : memref<1015808x32xf32, #tpu.memory_space<hbm>> -> memref<1015808x32xf32, #tpu.memory_space<hbm>>
      tpu.wait_indirect_dma semaphore(%arg7 : memref<!tpu.dma_semaphore, #tpu.memory_space<semaphore_mem>>) src(%dma_wait3A_295 : memref<1015808x32xf32, #tpu.memory_space<hbm>>) dst(%dma_wait3A_290 : memref<640x32xf32, #tpu.memory_space<vmem>>)
      %sub3A_296 = arith.constant 1 : i32
      %sub3A_297 = arith.subi %add3A_261, %sub3A_296 : i32
      %mul3A_298 = arith.constant 640 : i32
      %mul3A_299 = arith.muli %sub3A_297, %mul3A_298 : i32
      %add3A_300 = arith.addi %mul3A_2, %mul3A_299 : i32
      %dma_start3A_301 = arith.constant 0 : i32
      %dma_start3A_302 = arith.constant 0 : i32
      %dma_start3A_303 = arith.constant 0 : i32
      %dma_start3A_304 = tpu.memref_slice %arg6[%dma_start3A_301, %dma_start3A_302, %dma_start3A_303] : memref<4x640x32xf32, #tpu.memory_space<vmem>> -> memref<1x640x32xf32, #tpu.memory_space<vmem>>
      %dma_start3A_305 = tpu.memref_squeeze %dma_start3A_304 : memref<1x640x32xf32, #tpu.memory_space<vmem>> -> memref<640x32xf32, #tpu.memory_space<vmem>>
      %dma_start3A_306 = arith.constant 0 : i32
      %dma_start3A_307 = tpu.memref_slice %arg4[%add3A_300, %dma_start3A_306] : memref<819200x32xf32, #tpu.memory_space<hbm>> -> memref<640x32xf32, #tpu.memory_space<hbm>>
      %dma_start3A_308 = arith.constant 0 : i32
      %dma_start3A_309 = tpu.memref_slice %arg4[%add3A_300, %dma_start3A_308] : memref<819200x32xf32, #tpu.memory_space<hbm>> -> memref<640x32xf32, #tpu.memory_space<hbm>>
      %dma_start3A_310 = arith.constant 0 : i32
      %dma_start3A_311 = arith.constant 0 : i32
      %dma_start3A_312 = tpu.memref_slice %arg6[%dma_start3A_301, %dma_start3A_310, %dma_start3A_311] : memref<4x640x32xf32, #tpu.memory_space<vmem>> -> memref<1x640x32xf32, #tpu.memory_space<vmem>>
      %dma_start3A_313 = tpu.memref_squeeze %dma_start3A_312 : memref<1x640x32xf32, #tpu.memory_space<vmem>> -> memref<640x32xf32, #tpu.memory_space<vmem>>
      tpu.enqueue_dma source(%dma_start3A_313 : memref<640x32xf32, #tpu.memory_space<vmem>>) target(%dma_start3A_309 : memref<640x32xf32, #tpu.memory_space<hbm>>) target_semaphore(%arg11 : memref<!tpu.dma_semaphore, #tpu.memory_space<semaphore_mem>>)
      %add3A_314 = arith.constant 2 : i32
      %add3A_315 = arith.addi %mul3A_206, %add3A_314 : i32
      %dma_wait3A_316 = arith.constant 2 : i32
      %dma_wait3A_317 = arith.constant 0 : i32
      %dma_wait3A_318 = arith.constant 0 : i32
      %dma_wait3A_319 = tpu.memref_slice %arg6[%dma_wait3A_316, %dma_wait3A_317, %dma_wait3A_318] : memref<4x640x32xf32, #tpu.memory_space<vmem>> -> memref<1x640x32xf32, #tpu.memory_space<vmem>>
      %dma_wait3A_320 = tpu.memref_squeeze %dma_wait3A_319 : memref<1x640x32xf32, #tpu.memory_space<vmem>> -> memref<640x32xf32, #tpu.memory_space<vmem>>
      %dma_wait3A_321 = arith.constant 0 : i32
      %dma_wait3A_322 = tpu.memref_slice %arg4[%mul3A_2, %dma_wait3A_321] : memref<819200x32xf32, #tpu.memory_space<hbm>> -> memref<640x32xf32, #tpu.memory_space<hbm>>
      %dma_wait3A_323 = arith.constant 0 : i32
      %dma_wait3A_324 = tpu.memref_slice %arg4[%mul3A_2, %dma_wait3A_323] : memref<819200x32xf32, #tpu.memory_space<hbm>> -> memref<640x32xf32, #tpu.memory_space<hbm>>
      %dma_wait3A_325 = arith.constant 0 : i32
      %dma_wait3A_326 = arith.constant 0 : i32
      %dma_wait3A_327 = tpu.memref_slice %arg6[%dma_wait3A_316, %dma_wait3A_325, %dma_wait3A_326] : memref<4x640x32xf32, #tpu.memory_space<vmem>> -> memref<1x640x32xf32, #tpu.memory_space<vmem>>
      %dma_wait3A_328 = tpu.memref_squeeze %dma_wait3A_327 : memref<1x640x32xf32, #tpu.memory_space<vmem>> -> memref<640x32xf32, #tpu.memory_space<vmem>>
      tpu.wait_dma2 semaphore(%arg13 : memref<!tpu.dma_semaphore, #tpu.memory_space<semaphore_mem>>) src(%dma_wait3A_328 : memref<640x32xf32, #tpu.memory_space<vmem>>) dst(%dma_wait3A_324 : memref<640x32xf32, #tpu.memory_space<hbm>>)
      %mul3A_329 = arith.constant 640 : i32
      %mul3A_330 = arith.muli %add3A_315, %mul3A_329 : i32
      %dma_start3A_331 = arith.constant 2 : i32
      %dma_start3A_332 = arith.constant 0 : i32
      %dma_start3A_333 = arith.constant 0 : i32
      %dma_start3A_334 = tpu.memref_slice %arg6[%dma_start3A_331, %dma_start3A_332, %dma_start3A_333] : memref<4x640x32xf32, #tpu.memory_space<vmem>> -> memref<1x640x32xf32, #tpu.memory_space<vmem>>
      %dma_start3A_335 = tpu.memref_squeeze %dma_start3A_334 : memref<1x640x32xf32, #tpu.memory_space<vmem>> -> memref<640x32xf32, #tpu.memory_space<vmem>>
      %dma_start3A_336 = tpu.memref_slice %arg5[%mul3A_330] : memref<25600xi32, #tpu.memory_space<vmem>> -> memref<640xi32, #tpu.memory_space<vmem>>
      %dma_start3A_337 = arith.constant 0 : i32
      %dma_start3A_338 = arith.constant 0 : i32
      %dma_start3A_339 = tpu.memref_slice %arg3[%dma_start3A_337, %dma_start3A_338] : memref<1015808x32xf32, #tpu.memory_space<hbm>> -> memref<1015808x32xf32, #tpu.memory_space<hbm>>
      tpu.enqueue_indirect_dma source(%dma_start3A_339 : memref<1015808x32xf32, #tpu.memory_space<hbm>>) target(%dma_start3A_335 : memref<640x32xf32, #tpu.memory_space<vmem>>) offsets(%dma_start3A_336 : memref<640xi32, #tpu.memory_space<vmem>>) semaphore(%arg9 : memref<!tpu.dma_semaphore, #tpu.memory_space<semaphore_mem>>)
      %dma_wait3A_340 = arith.constant 1 : i32
      %dma_wait3A_341 = arith.constant 0 : i32
      %dma_wait3A_342 = arith.constant 0 : i32
      %dma_wait3A_343 = tpu.memref_slice %arg6[%dma_wait3A_340, %dma_wait3A_341, %dma_wait3A_342] : memref<4x640x32xf32, #tpu.memory_space<vmem>> -> memref<1x640x32xf32, #tpu.memory_space<vmem>>
      %dma_wait3A_344 = tpu.memref_squeeze %dma_wait3A_343 : memref<1x640x32xf32, #tpu.memory_space<vmem>> -> memref<640x32xf32, #tpu.memory_space<vmem>>
      %dma_wait3A_345 = arith.constant 0 : i32
      %dma_wait3A_346 = tpu.memref_slice %arg5[%dma_wait3A_345] : memref<25600xi32, #tpu.memory_space<vmem>> -> memref<640xi32, #tpu.memory_space<vmem>>
      %dma_wait3A_347 = arith.constant 0 : i32
      %dma_wait3A_348 = arith.constant 0 : i32
      %dma_wait3A_349 = tpu.memref_slice %arg3[%dma_wait3A_347, %dma_wait3A_348] : memref<1015808x32xf32, #tpu.memory_space<hbm>> -> memref<1015808x32xf32, #tpu.memory_space<hbm>>
      tpu.wait_indirect_dma semaphore(%arg8 : memref<!tpu.dma_semaphore, #tpu.memory_space<semaphore_mem>>) src(%dma_wait3A_349 : memref<1015808x32xf32, #tpu.memory_space<hbm>>) dst(%dma_wait3A_344 : memref<640x32xf32, #tpu.memory_space<vmem>>)
      %sub3A_350 = arith.constant 1 : i32
      %sub3A_351 = arith.subi %add3A_315, %sub3A_350 : i32
      %mul3A_352 = arith.constant 640 : i32
      %mul3A_353 = arith.muli %sub3A_351, %mul3A_352 : i32
      %add3A_354 = arith.addi %mul3A_2, %mul3A_353 : i32
      %dma_start3A_355 = arith.constant 1 : i32
      %dma_start3A_356 = arith.constant 0 : i32
      %dma_start3A_357 = arith.constant 0 : i32
      %dma_start3A_358 = tpu.memref_slice %arg6[%dma_start3A_355, %dma_start3A_356, %dma_start3A_357] : memref<4x640x32xf32, #tpu.memory_space<vmem>> -> memref<1x640x32xf32, #tpu.memory_space<vmem>>
      %dma_start3A_359 = tpu.memref_squeeze %dma_start3A_358 : memref<1x640x32xf32, #tpu.memory_space<vmem>> -> memref<640x32xf32, #tpu.memory_space<vmem>>
      %dma_start3A_360 = arith.constant 0 : i32
      %dma_start3A_361 = tpu.memref_slice %arg4[%add3A_354, %dma_start3A_360] : memref<819200x32xf32, #tpu.memory_space<hbm>> -> memref<640x32xf32, #tpu.memory_space<hbm>>
      %dma_start3A_362 = arith.constant 0 : i32
      %dma_start3A_363 = tpu.memref_slice %arg4[%add3A_354, %dma_start3A_362] : memref<819200x32xf32, #tpu.memory_space<hbm>> -> memref<640x32xf32, #tpu.memory_space<hbm>>
      %dma_start3A_364 = arith.constant 0 : i32
      %dma_start3A_365 = arith.constant 0 : i32
      %dma_start3A_366 = tpu.memref_slice %arg6[%dma_start3A_355, %dma_start3A_364, %dma_start3A_365] : memref<4x640x32xf32, #tpu.memory_space<vmem>> -> memref<1x640x32xf32, #tpu.memory_space<vmem>>
      %dma_start3A_367 = tpu.memref_squeeze %dma_start3A_366 : memref<1x640x32xf32, #tpu.memory_space<vmem>> -> memref<640x32xf32, #tpu.memory_space<vmem>>
      tpu.enqueue_dma source(%dma_start3A_367 : memref<640x32xf32, #tpu.memory_space<vmem>>) target(%dma_start3A_363 : memref<640x32xf32, #tpu.memory_space<hbm>>) target_semaphore(%arg12 : memref<!tpu.dma_semaphore, #tpu.memory_space<semaphore_mem>>)
      %add3A_368 = arith.constant 3 : i32
      %add3A_369 = arith.addi %mul3A_206, %add3A_368 : i32
      %dma_wait3A_370 = arith.constant 3 : i32
      %dma_wait3A_371 = arith.constant 0 : i32
      %dma_wait3A_372 = arith.constant 0 : i32
      %dma_wait3A_373 = tpu.memref_slice %arg6[%dma_wait3A_370, %dma_wait3A_371, %dma_wait3A_372] : memref<4x640x32xf32, #tpu.memory_space<vmem>> -> memref<1x640x32xf32, #tpu.memory_space<vmem>>
      %dma_wait3A_374 = tpu.memref_squeeze %dma_wait3A_373 : memref<1x640x32xf32, #tpu.memory_space<vmem>> -> memref<640x32xf32, #tpu.memory_space<vmem>>
      %dma_wait3A_375 = arith.constant 0 : i32
      %dma_wait3A_376 = tpu.memref_slice %arg4[%mul3A_2, %dma_wait3A_375] : memref<819200x32xf32, #tpu.memory_space<hbm>> -> memref<640x32xf32, #tpu.memory_space<hbm>>
      %dma_wait3A_377 = arith.constant 0 : i32
      %dma_wait3A_378 = tpu.memref_slice %arg4[%mul3A_2, %dma_wait3A_377] : memref<819200x32xf32, #tpu.memory_space<hbm>> -> memref<640x32xf32, #tpu.memory_space<hbm>>
      %dma_wait3A_379 = arith.constant 0 : i32
      %dma_wait3A_380 = arith.constant 0 : i32
      %dma_wait3A_381 = tpu.memref_slice %arg6[%dma_wait3A_370, %dma_wait3A_379, %dma_wait3A_380] : memref<4x640x32xf32, #tpu.memory_space<vmem>> -> memref<1x640x32xf32, #tpu.memory_space<vmem>>
      %dma_wait3A_382 = tpu.memref_squeeze %dma_wait3A_381 : memref<1x640x32xf32, #tpu.memory_space<vmem>> -> memref<640x32xf32, #tpu.memory_space<vmem>>
      tpu.wait_dma2 semaphore(%arg14 : memref<!tpu.dma_semaphore, #tpu.memory_space<semaphore_mem>>) src(%dma_wait3A_382 : memref<640x32xf32, #tpu.memory_space<vmem>>) dst(%dma_wait3A_378 : memref<640x32xf32, #tpu.memory_space<hbm>>)
      %mul3A_383 = arith.constant 640 : i32
      %mul3A_384 = arith.muli %add3A_369, %mul3A_383 : i32
      %dma_start3A_385 = arith.constant 3 : i32
      %dma_start3A_386 = arith.constant 0 : i32
      %dma_start3A_387 = arith.constant 0 : i32
      %dma_start3A_388 = tpu.memref_slice %arg6[%dma_start3A_385, %dma_start3A_386, %dma_start3A_387] : memref<4x640x32xf32, #tpu.memory_space<vmem>> -> memref<1x640x32xf32, #tpu.memory_space<vmem>>
      %dma_start3A_389 = tpu.memref_squeeze %dma_start3A_388 : memref<1x640x32xf32, #tpu.memory_space<vmem>> -> memref<640x32xf32, #tpu.memory_space<vmem>>
      %dma_start3A_390 = tpu.memref_slice %arg5[%mul3A_384] : memref<25600xi32, #tpu.memory_space<vmem>> -> memref<640xi32, #tpu.memory_space<vmem>>
      %dma_start3A_391 = arith.constant 0 : i32
      %dma_start3A_392 = arith.constant 0 : i32
      %dma_start3A_393 = tpu.memref_slice %arg3[%dma_start3A_391, %dma_start3A_392] : memref<1015808x32xf32, #tpu.memory_space<hbm>> -> memref<1015808x32xf32, #tpu.memory_space<hbm>>
      tpu.enqueue_indirect_dma source(%dma_start3A_393 : memref<1015808x32xf32, #tpu.memory_space<hbm>>) target(%dma_start3A_389 : memref<640x32xf32, #tpu.memory_space<vmem>>) offsets(%dma_start3A_390 : memref<640xi32, #tpu.memory_space<vmem>>) semaphore(%arg10 : memref<!tpu.dma_semaphore, #tpu.memory_space<semaphore_mem>>)
      %dma_wait3A_394 = arith.constant 2 : i32
      %dma_wait3A_395 = arith.constant 0 : i32
      %dma_wait3A_396 = arith.constant 0 : i32
      %dma_wait3A_397 = tpu.memref_slice %arg6[%dma_wait3A_394, %dma_wait3A_395, %dma_wait3A_396] : memref<4x640x32xf32, #tpu.memory_space<vmem>> -> memref<1x640x32xf32, #tpu.memory_space<vmem>>
      %dma_wait3A_398 = tpu.memref_squeeze %dma_wait3A_397 : memref<1x640x32xf32, #tpu.memory_space<vmem>> -> memref<640x32xf32, #tpu.memory_space<vmem>>
      %dma_wait3A_399 = arith.constant 0 : i32
      %dma_wait3A_400 = tpu.memref_slice %arg5[%dma_wait3A_399] : memref<25600xi32, #tpu.memory_space<vmem>> -> memref<640xi32, #tpu.memory_space<vmem>>
      %dma_wait3A_401 = arith.constant 0 : i32
      %dma_wait3A_402 = arith.constant 0 : i32
      %dma_wait3A_403 = tpu.memref_slice %arg3[%dma_wait3A_401, %dma_wait3A_402] : memref<1015808x32xf32, #tpu.memory_space<hbm>> -> memref<1015808x32xf32, #tpu.memory_space<hbm>>
      tpu.wait_indirect_dma semaphore(%arg9 : memref<!tpu.dma_semaphore, #tpu.memory_space<semaphore_mem>>) src(%dma_wait3A_403 : memref<1015808x32xf32, #tpu.memory_space<hbm>>) dst(%dma_wait3A_398 : memref<640x32xf32, #tpu.memory_space<vmem>>)
      %sub3A_404 = arith.constant 1 : i32
      %sub3A_405 = arith.subi %add3A_369, %sub3A_404 : i32
      %mul3A_406 = arith.constant 640 : i32
      %mul3A_407 = arith.muli %sub3A_405, %mul3A_406 : i32
      %add3A_408 = arith.addi %mul3A_2, %mul3A_407 : i32
      %dma_start3A_409 = arith.constant 2 : i32
      %dma_start3A_410 = arith.constant 0 : i32
      %dma_start3A_411 = arith.constant 0 : i32
      %dma_start3A_412 = tpu.memref_slice %arg6[%dma_start3A_409, %dma_start3A_410, %dma_start3A_411] : memref<4x640x32xf32, #tpu.memory_space<vmem>> -> memref<1x640x32xf32, #tpu.memory_space<vmem>>
      %dma_start3A_413 = tpu.memref_squeeze %dma_start3A_412 : memref<1x640x32xf32, #tpu.memory_space<vmem>> -> memref<640x32xf32, #tpu.memory_space<vmem>>
      %dma_start3A_414 = arith.constant 0 : i32
      %dma_start3A_415 = tpu.memref_slice %arg4[%add3A_408, %dma_start3A_414] : memref<819200x32xf32, #tpu.memory_space<hbm>> -> memref<640x32xf32, #tpu.memory_space<hbm>>
      %dma_start3A_416 = arith.constant 0 : i32
      %dma_start3A_417 = tpu.memref_slice %arg4[%add3A_408, %dma_start3A_416] : memref<819200x32xf32, #tpu.memory_space<hbm>> -> memref<640x32xf32, #tpu.memory_space<hbm>>
      %dma_start3A_418 = arith.constant 0 : i32
      %dma_start3A_419 = arith.constant 0 : i32
      %dma_start3A_420 = tpu.memref_slice %arg6[%dma_start3A_409, %dma_start3A_418, %dma_start3A_419] : memref<4x640x32xf32, #tpu.memory_space<vmem>> -> memref<1x640x32xf32, #tpu.memory_space<vmem>>
      %dma_start3A_421 = tpu.memref_squeeze %dma_start3A_420 : memref<1x640x32xf32, #tpu.memory_space<vmem>> -> memref<640x32xf32, #tpu.memory_space<vmem>>
      tpu.enqueue_dma source(%dma_start3A_421 : memref<640x32xf32, #tpu.memory_space<vmem>>) target(%dma_start3A_417 : memref<640x32xf32, #tpu.memory_space<hbm>>) target_semaphore(%arg13 : memref<!tpu.dma_semaphore, #tpu.memory_space<semaphore_mem>>)
    }
    %scan3A_126 = arith.constant 9 : i32
    %dma_wait3A_127 = arith.constant 3 : i32
    %dma_wait3A_128 = arith.constant 0 : i32
    %dma_wait3A_129 = arith.constant 0 : i32
    %dma_wait3A_130 = tpu.memref_slice %arg6[%dma_wait3A_127, %dma_wait3A_128, %dma_wait3A_129] : memref<4x640x32xf32, #tpu.memory_space<vmem>> -> memref<1x640x32xf32, #tpu.memory_space<vmem>>
    %dma_wait3A_131 = tpu.memref_squeeze %dma_wait3A_130 : memref<1x640x32xf32, #tpu.memory_space<vmem>> -> memref<640x32xf32, #tpu.memory_space<vmem>>
    %dma_wait3A_132 = arith.constant 0 : i32
    %dma_wait3A_133 = tpu.memref_slice %arg5[%dma_wait3A_132] : memref<25600xi32, #tpu.memory_space<vmem>> -> memref<640xi32, #tpu.memory_space<vmem>>
    %dma_wait3A_134 = arith.constant 0 : i32
    %dma_wait3A_135 = arith.constant 0 : i32
    %dma_wait3A_136 = tpu.memref_slice %arg3[%dma_wait3A_134, %dma_wait3A_135] : memref<1015808x32xf32, #tpu.memory_space<hbm>> -> memref<1015808x32xf32, #tpu.memory_space<hbm>>
    tpu.wait_indirect_dma semaphore(%arg10 : memref<!tpu.dma_semaphore, #tpu.memory_space<semaphore_mem>>) src(%dma_wait3A_136 : memref<1015808x32xf32, #tpu.memory_space<hbm>>) dst(%dma_wait3A_131 : memref<640x32xf32, #tpu.memory_space<vmem>>)
    %add3A_137 = arith.constant 24960 : i32
    %add3A_138 = arith.addi %mul3A_2, %add3A_137 : i32
    %dma_start3A_139 = arith.constant 3 : i32
    %dma_start3A_140 = arith.constant 0 : i32
    %dma_start3A_141 = arith.constant 0 : i32
    %dma_start3A_142 = tpu.memref_slice %arg6[%dma_start3A_139, %dma_start3A_140, %dma_start3A_141] : memref<4x640x32xf32, #tpu.memory_space<vmem>> -> memref<1x640x32xf32, #tpu.memory_space<vmem>>
    %dma_start3A_143 = tpu.memref_squeeze %dma_start3A_142 : memref<1x640x32xf32, #tpu.memory_space<vmem>> -> memref<640x32xf32, #tpu.memory_space<vmem>>
    %dma_start3A_144 = arith.constant 0 : i32
    %dma_start3A_145 = tpu.memref_slice %arg4[%add3A_138, %dma_start3A_144] : memref<819200x32xf32, #tpu.memory_space<hbm>> -> memref<640x32xf32, #tpu.memory_space<hbm>>
    %dma_start3A_146 = arith.constant 0 : i32
    %dma_start3A_147 = tpu.memref_slice %arg4[%add3A_138, %dma_start3A_146] : memref<819200x32xf32, #tpu.memory_space<hbm>> -> memref<640x32xf32, #tpu.memory_space<hbm>>
    %dma_start3A_148 = arith.constant 0 : i32
    %dma_start3A_149 = arith.constant 0 : i32
    %dma_start3A_150 = tpu.memref_slice %arg6[%dma_start3A_139, %dma_start3A_148, %dma_start3A_149] : memref<4x640x32xf32, #tpu.memory_space<vmem>> -> memref<1x640x32xf32, #tpu.memory_space<vmem>>
    %dma_start3A_151 = tpu.memref_squeeze %dma_start3A_150 : memref<1x640x32xf32, #tpu.memory_space<vmem>> -> memref<640x32xf32, #tpu.memory_space<vmem>>
    tpu.enqueue_dma source(%dma_start3A_151 : memref<640x32xf32, #tpu.memory_space<vmem>>) target(%dma_start3A_147 : memref<640x32xf32, #tpu.memory_space<hbm>>) target_semaphore(%arg14 : memref<!tpu.dma_semaphore, #tpu.memory_space<semaphore_mem>>)
    %dma_wait3A_152 = arith.constant 0 : i32
    %dma_wait3A_153 = arith.constant 0 : i32
    %dma_wait3A_154 = arith.constant 0 : i32
    %dma_wait3A_155 = tpu.memref_slice %arg6[%dma_wait3A_152, %dma_wait3A_153, %dma_wait3A_154] : memref<4x640x32xf32, #tpu.memory_space<vmem>> -> memref<1x640x32xf32, #tpu.memory_space<vmem>>
    %dma_wait3A_156 = tpu.memref_squeeze %dma_wait3A_155 : memref<1x640x32xf32, #tpu.memory_space<vmem>> -> memref<640x32xf32, #tpu.memory_space<vmem>>
    %dma_wait3A_157 = arith.constant 0 : i32
    %dma_wait3A_158 = tpu.memref_slice %arg4[%mul3A_2, %dma_wait3A_157] : memref<819200x32xf32, #tpu.memory_space<hbm>> -> memref<640x32xf32, #tpu.memory_space<hbm>>
    %dma_wait3A_159 = arith.constant 0 : i32
    %dma_wait3A_160 = tpu.memref_slice %arg4[%mul3A_2, %dma_wait3A_159] : memref<819200x32xf32, #tpu.memory_space<hbm>> -> memref<640x32xf32, #tpu.memory_space<hbm>>
    %dma_wait3A_161 = arith.constant 0 : i32
    %dma_wait3A_162 = arith.constant 0 : i32
    %dma_wait3A_163 = tpu.memref_slice %arg6[%dma_wait3A_152, %dma_wait3A_161, %dma_wait3A_162] : memref<4x640x32xf32, #tpu.memory_space<vmem>> -> memref<1x640x32xf32, #tpu.memory_space<vmem>>
    %dma_wait3A_164 = tpu.memref_squeeze %dma_wait3A_163 : memref<1x640x32xf32, #tpu.memory_space<vmem>> -> memref<640x32xf32, #tpu.memory_space<vmem>>
    tpu.wait_dma2 semaphore(%arg11 : memref<!tpu.dma_semaphore, #tpu.memory_space<semaphore_mem>>) src(%dma_wait3A_164 : memref<640x32xf32, #tpu.memory_space<vmem>>) dst(%dma_wait3A_160 : memref<640x32xf32, #tpu.memory_space<hbm>>)
    %dma_wait3A_165 = arith.constant 1 : i32
    %dma_wait3A_166 = arith.constant 0 : i32
    %dma_wait3A_167 = arith.constant 0 : i32
    %dma_wait3A_168 = tpu.memref_slice %arg6[%dma_wait3A_165, %dma_wait3A_166, %dma_wait3A_167] : memref<4x640x32xf32, #tpu.memory_space<vmem>> -> memref<1x640x32xf32, #tpu.memory_space<vmem>>
    %dma_wait3A_169 = tpu.memref_squeeze %dma_wait3A_168 : memref<1x640x32xf32, #tpu.memory_space<vmem>> -> memref<640x32xf32, #tpu.memory_space<vmem>>
    %dma_wait3A_170 = arith.constant 0 : i32
    %dma_wait3A_171 = tpu.memref_slice %arg4[%mul3A_2, %dma_wait3A_170] : memref<819200x32xf32, #tpu.memory_space<hbm>> -> memref<640x32xf32, #tpu.memory_space<hbm>>
    %dma_wait3A_172 = arith.constant 0 : i32
    %dma_wait3A_173 = tpu.memref_slice %arg4[%mul3A_2, %dma_wait3A_172] : memref<819200x32xf32, #tpu.memory_space<hbm>> -> memref<640x32xf32, #tpu.memory_space<hbm>>
    %dma_wait3A_174 = arith.constant 0 : i32
    %dma_wait3A_175 = arith.constant 0 : i32
    %dma_wait3A_176 = tpu.memref_slice %arg6[%dma_wait3A_165, %dma_wait3A_174, %dma_wait3A_175] : memref<4x640x32xf32, #tpu.memory_space<vmem>> -> memref<1x640x32xf32, #tpu.memory_space<vmem>>
    %dma_wait3A_177 = tpu.memref_squeeze %dma_wait3A_176 : memref<1x640x32xf32, #tpu.memory_space<vmem>> -> memref<640x32xf32, #tpu.memory_space<vmem>>
    tpu.wait_dma2 semaphore(%arg12 : memref<!tpu.dma_semaphore, #tpu.memory_space<semaphore_mem>>) src(%dma_wait3A_177 : memref<640x32xf32, #tpu.memory_space<vmem>>) dst(%dma_wait3A_173 : memref<640x32xf32, #tpu.memory_space<hbm>>)
    %dma_wait3A_178 = arith.constant 2 : i32
    %dma_wait3A_179 = arith.constant 0 : i32
    %dma_wait3A_180 = arith.constant 0 : i32
    %dma_wait3A_181 = tpu.memref_slice %arg6[%dma_wait3A_178, %dma_wait3A_179, %dma_wait3A_180] : memref<4x640x32xf32, #tpu.memory_space<vmem>> -> memref<1x640x32xf32, #tpu.memory_space<vmem>>
    %dma_wait3A_182 = tpu.memref_squeeze %dma_wait3A_181 : memref<1x640x32xf32, #tpu.memory_space<vmem>> -> memref<640x32xf32, #tpu.memory_space<vmem>>
    %dma_wait3A_183 = arith.constant 0 : i32
    %dma_wait3A_184 = tpu.memref_slice %arg4[%mul3A_2, %dma_wait3A_183] : memref<819200x32xf32, #tpu.memory_space<hbm>> -> memref<640x32xf32, #tpu.memory_space<hbm>>
    %dma_wait3A_185 = arith.constant 0 : i32
    %dma_wait3A_186 = tpu.memref_slice %arg4[%mul3A_2, %dma_wait3A_185] : memref<819200x32xf32, #tpu.memory_space<hbm>> -> memref<640x32xf32, #tpu.memory_space<hbm>>
    %dma_wait3A_187 = arith.constant 0 : i32
    %dma_wait3A_188 = arith.constant 0 : i32
    %dma_wait3A_189 = tpu.memref_slice %arg6[%dma_wait3A_178, %dma_wait3A_187, %dma_wait3A_188] : memref<4x640x32xf32, #tpu.memory_space<vmem>> -> memref<1x640x32xf32, #tpu.memory_space<vmem>>
    %dma_wait3A_190 = tpu.memref_squeeze %dma_wait3A_189 : memref<1x640x32xf32, #tpu.memory_space<vmem>> -> memref<640x32xf32, #tpu.memory_space<vmem>>
    tpu.wait_dma2 semaphore(%arg13 : memref<!tpu.dma_semaphore, #tpu.memory_space<semaphore_mem>>) src(%dma_wait3A_190 : memref<640x32xf32, #tpu.memory_space<vmem>>) dst(%dma_wait3A_186 : memref<640x32xf32, #tpu.memory_space<hbm>>)
    %dma_wait3A_191 = arith.constant 3 : i32
    %dma_wait3A_192 = arith.constant 0 : i32
    %dma_wait3A_193 = arith.constant 0 : i32
    %dma_wait3A_194 = tpu.memref_slice %arg6[%dma_wait3A_191, %dma_wait3A_192, %dma_wait3A_193] : memref<4x640x32xf32, #tpu.memory_space<vmem>> -> memref<1x640x32xf32, #tpu.memory_space<vmem>>
    %dma_wait3A_195 = tpu.memref_squeeze %dma_wait3A_194 : memref<1x640x32xf32, #tpu.memory_space<vmem>> -> memref<640x32xf32, #tpu.memory_space<vmem>>
    %dma_wait3A_196 = arith.constant 0 : i32
    %dma_wait3A_197 = tpu.memref_slice %arg4[%mul3A_2, %dma_wait3A_196] : memref<819200x32xf32, #tpu.memory_space<hbm>> -> memref<640x32xf32, #tpu.memory_space<hbm>>
    %dma_wait3A_198 = arith.constant 0 : i32
    %dma_wait3A_199 = tpu.memref_slice %arg4[%mul3A_2, %dma_wait3A_198] : memref<819200x32xf32, #tpu.memory_space<hbm>> -> memref<640x32xf32, #tpu.memory_space<hbm>>
    %dma_wait3A_200 = arith.constant 0 : i32
    %dma_wait3A_201 = arith.constant 0 : i32
    %dma_wait3A_202 = tpu.memref_slice %arg6[%dma_wait3A_191, %dma_wait3A_200, %dma_wait3A_201] : memref<4x640x32xf32, #tpu.memory_space<vmem>> -> memref<1x640x32xf32, #tpu.memory_space<vmem>>
    %dma_wait3A_203 = tpu.memref_squeeze %dma_wait3A_202 : memref<1x640x32xf32, #tpu.memory_space<vmem>> -> memref<640x32xf32, #tpu.memory_space<vmem>>
    tpu.wait_dma2 semaphore(%arg14 : memref<!tpu.dma_semaphore, #tpu.memory_space<semaphore_mem>>) src(%dma_wait3A_203 : memref<640x32xf32, #tpu.memory_space<vmem>>) dst(%dma_wait3A_199 : memref<640x32xf32, #tpu.memory_space<hbm>>)
    return
  }
}

module attributes {stable_mosaic.version = 14 : i64} {
  func.func @body(%arg0: i32, %arg1: memref<32x32768xf32, #tpu.memory_space<vmem>>, %arg2: memref<8192x128xf32, #tpu.memory_space<vmem>>) attributes {dimension_semantics = [#tpu.dimension_semantics<arbitrary>], iteration_bounds = array<i64: 31>, scalar_prefetch = 0 : i64, scratch_operands = 0 : i64, tpu.core_type = #tpu.core_type<tc>, window_params = [{transform_indices = @transform_0, window_bounds = array<i64: 32, 32768>}, {transform_indices = @transform_1, window_bounds = array<i64: 8192, 128>}]} {
    %iota3A = tpu.iota {dimensions = array<i32: 0>} : vector<32x32xi32>
    %iota3A_0 = tpu.iota {dimensions = array<i32: 1>} : vector<32x32xi32>
    %add3A = arith.constant 0 : i32
    %add3A_1 = vector.broadcast %add3A : i32 to vector<32x32xi32>
    %add3A_2 = arith.addi %iota3A, %add3A_1 : vector<32x32xi32>
    %eq3A = arith.cmpi eq, %add3A_2, %iota3A_0 : vector<32x32xi32>
    %convert_element_type3A = arith.extui %eq3A : vector<32x32xi1> to vector<32x32xi32>
    %convert_element_type3A_3 = arith.sitofp %convert_element_type3A : vector<32x32xi32> to vector<32x32xf32>
    %get3A = arith.constant 0 : index
    %get3A_4 = arith.constant 0 : index
    %get3A_5 = vector.load %arg1[%get3A, %get3A_4] : memref<32x32768xf32, #tpu.memory_space<vmem>>, vector<32x8192xf32>
    %dot_general3A = arith.constant dense<0.000000e+00> : vector<8192x32xf32>
    %dot_general3A_6 = tpu.matmul %get3A_5, %convert_element_type3A_3, %dot_general3A {dimension_numbers = #tpu.dot_dimension_numbers<[0], [0], [1], [1], [0, 1, 1, 1], [], []>, transpose_lhs_hint = false} : vector<32x8192xf32>, vector<32x32xf32>, vector<8192x32xf32> -> vector<8192x32xf32>
    %swap3A = arith.constant 0 : index
    %swap3A_7 = arith.constant 0 : index
    %swap3A_8 = vector.load %arg2[%swap3A, %swap3A_7] : memref<8192x128xf32, #tpu.memory_space<vmem>>, vector<8192x32xf32>
    tpu.vector_store %arg2[%swap3A, %swap3A_7], %dot_general3A_6 {strides = array<i32>} : memref<8192x128xf32, #tpu.memory_space<vmem>>, vector<8192x32xf32>,
    %get3A_9 = arith.constant 0 : index
    %get3A_10 = arith.constant 8192 : index
    %get3A_11 = vector.load %arg1[%get3A_9, %get3A_10] : memref<32x32768xf32, #tpu.memory_space<vmem>>, vector<32x8192xf32>
    %dot_general3A_12 = arith.constant dense<0.000000e+00> : vector<8192x32xf32>
    %dot_general3A_13 = tpu.matmul %get3A_11, %convert_element_type3A_3, %dot_general3A_12 {dimension_numbers = #tpu.dot_dimension_numbers<[0], [0], [1], [1], [0, 1, 1, 1], [], []>, transpose_lhs_hint = false} : vector<32x8192xf32>, vector<32x32xf32>, vector<8192x32xf32> -> vector<8192x32xf32>
    %swap3A_14 = arith.constant 0 : index
    %swap3A_15 = arith.constant 32 : index
    %swap3A_16 = vector.load %arg2[%swap3A_14, %swap3A_15] : memref<8192x128xf32, #tpu.memory_space<vmem>>, vector<8192x32xf32>
    tpu.vector_store %arg2[%swap3A_14, %swap3A_15], %dot_general3A_13 {strides = array<i32>} : memref<8192x128xf32, #tpu.memory_space<vmem>>, vector<8192x32xf32>,
    %get3A_17 = arith.constant 0 : index
    %get3A_18 = arith.constant 16384 : index
    %get3A_19 = vector.load %arg1[%get3A_17, %get3A_18] : memref<32x32768xf32, #tpu.memory_space<vmem>>, vector<32x8192xf32>
    %dot_general3A_20 = arith.constant dense<0.000000e+00> : vector<8192x32xf32>
    %dot_general3A_21 = tpu.matmul %get3A_19, %convert_element_type3A_3, %dot_general3A_20 {dimension_numbers = #tpu.dot_dimension_numbers<[0], [0], [1], [1], [0, 1, 1, 1], [], []>, transpose_lhs_hint = false} : vector<32x8192xf32>, vector<32x32xf32>, vector<8192x32xf32> -> vector<8192x32xf32>
    %swap3A_22 = arith.constant 0 : index
    %swap3A_23 = arith.constant 64 : index
    %swap3A_24 = vector.load %arg2[%swap3A_22, %swap3A_23] : memref<8192x128xf32, #tpu.memory_space<vmem>>, vector<8192x32xf32>
    tpu.vector_store %arg2[%swap3A_22, %swap3A_23], %dot_general3A_21 {strides = array<i32>} : memref<8192x128xf32, #tpu.memory_space<vmem>>, vector<8192x32xf32>,
    %get3A_25 = arith.constant 0 : index
    %get3A_26 = arith.constant 24576 : index
    %get3A_27 = vector.load %arg1[%get3A_25, %get3A_26] : memref<32x32768xf32, #tpu.memory_space<vmem>>, vector<32x8192xf32>
    %dot_general3A_28 = arith.constant dense<0.000000e+00> : vector<8192x32xf32>
    %dot_general3A_29 = tpu.matmul %get3A_27, %convert_element_type3A_3, %dot_general3A_28 {dimension_numbers = #tpu.dot_dimension_numbers<[0], [0], [1], [1], [0, 1, 1, 1], [], []>, transpose_lhs_hint = false} : vector<32x8192xf32>, vector<32x32xf32>, vector<8192x32xf32> -> vector<8192x32xf32>
    %swap3A_30 = arith.constant 0 : index
    %swap3A_31 = arith.constant 96 : index
    %swap3A_32 = vector.load %arg2[%swap3A_30, %swap3A_31] : memref<8192x128xf32, #tpu.memory_space<vmem>>, vector<8192x32xf32>
    tpu.vector_store %arg2[%swap3A_30, %swap3A_31], %dot_general3A_29 {strides = array<i32>} : memref<8192x128xf32, #tpu.memory_space<vmem>>, vector<8192x32xf32>,
    return
  }
  func.func @transform_0(%arg0: i32) -> (i32, i32) {
    %c0_i32 = arith.constant 0 : i32
    %c0_i32_0 = arith.constant 0 : i32
    return %c0_i32, %arg0 : i32, i32
  }
  func.func @transform_1(%arg0: i32) -> (i32, i32) {
    %c0_i32 = arith.constant 0 : i32
    %c0_i32_0 = arith.constant 0 : i32
    return %arg0, %c0_i32 : i32, i32
  }
}

module attributes {stable_mosaic.version = 14 : i64} {
  func.func @body(%arg0: i32, %arg1: memref<524288xf32, #tpu.memory_space<vmem>>, %arg2: memref<4x32x4096xf32, #tpu.memory_space<vmem>>) attributes {dimension_semantics = [#tpu.dimension_semantics<arbitrary>], iteration_bounds = array<i64: 50>, scalar_prefetch = 0 : i64, scratch_operands = 0 : i64, tpu.core_type = #tpu.core_type<tc>, window_params = [{transform_indices = @transform_0, window_bounds = array<i64: 524288>}, {transform_indices = @transform_1, window_bounds = array<i64: 4, 32, 4096>}]} {
    %iota3A = tpu.iota {dimensions = array<i32: 0>} : vector<32x32xi32>
    %iota3A_0 = tpu.iota {dimensions = array<i32: 1>} : vector<32x32xi32>
    %add3A = arith.constant 0 : i32
    %add3A_1 = vector.broadcast %add3A : i32 to vector<32x32xi32>
    %add3A_2 = arith.addi %iota3A, %add3A_1 : vector<32x32xi32>
    %eq3A = arith.cmpi eq, %add3A_2, %iota3A_0 : vector<32x32xi32>
    %convert_element_type3A = arith.extui %eq3A : vector<32x32xi1> to vector<32x32xi32>
    %convert_element_type3A_3 = arith.sitofp %convert_element_type3A : vector<32x32xi32> to vector<32x32xf32>
    %get3A = arith.constant 0 : index
    %get3A_4 = vector.load %arg1[%get3A] : memref<524288xf32, #tpu.memory_space<vmem>>, vector<524288xf32>
    %reshape3A = vector.shape_cast %get3A_4 : vector<524288xf32> to vector<2048x256xf32>
    %slice3A = vector.extract_strided_slice %reshape3A {offsets = [0, 0], sizes = [512, 256], strides = [1, 1]} : vector<2048x256xf32> to vector<512x256xf32>
    %slice3A_5 = vector.extract_strided_slice %slice3A {offsets = [0, 0], sizes = [512, 32], strides = [1, 1]} : vector<512x256xf32> to vector<512x32xf32>
    %dot_general3A = arith.constant dense<0.000000e+00> : vector<32x512xf32>
    %dot_general3A_6 = tpu.matmul %convert_element_type3A_3, %slice3A_5, %dot_general3A {dimension_numbers = #tpu.dot_dimension_numbers<[1], [1], [0], [0], [0, 0, 1, 0], [], []>, transpose_lhs_hint = false} : vector<32x32xf32>, vector<512x32xf32>, vector<32x512xf32> -> vector<32x512xf32>
    %swap3A = arith.constant 0 : index
    %swap3A_7 = arith.constant 0 : index
    %swap3A_8 = arith.constant 0 : index
    %swap3A_9 = vector.load %arg2[%swap3A, %swap3A_7, %swap3A_8] : memref<4x32x4096xf32, #tpu.memory_space<vmem>>, vector<1x32x512xf32>
    %swap3A_10 = vector.shape_cast %swap3A_9 : vector<1x32x512xf32> to vector<32x512xf32>
    %swap3A_11 = vector.shape_cast %dot_general3A_6 : vector<32x512xf32> to vector<1x32x512xf32>
    tpu.vector_store %arg2[%swap3A, %swap3A_7, %swap3A_8], %swap3A_11 {strides = array<i32>} : memref<4x32x4096xf32, #tpu.memory_space<vmem>>, vector<1x32x512xf32>,
    %slice3A_12 = vector.extract_strided_slice %slice3A {offsets = [0, 32], sizes = [512, 32], strides = [1, 1]} : vector<512x256xf32> to vector<512x32xf32>
    %dot_general3A_13 = arith.constant dense<0.000000e+00> : vector<32x512xf32>
    %dot_general3A_14 = tpu.matmul %convert_element_type3A_3, %slice3A_12, %dot_general3A_13 {dimension_numbers = #tpu.dot_dimension_numbers<[1], [1], [0], [0], [0, 0, 1, 0], [], []>, transpose_lhs_hint = false} : vector<32x32xf32>, vector<512x32xf32>, vector<32x512xf32> -> vector<32x512xf32>
    %swap3A_15 = arith.constant 0 : index
    %swap3A_16 = arith.constant 0 : index
    %swap3A_17 = arith.constant 512 : index
    %swap3A_18 = vector.load %arg2[%swap3A_15, %swap3A_16, %swap3A_17] : memref<4x32x4096xf32, #tpu.memory_space<vmem>>, vector<1x32x512xf32>
    %swap3A_19 = vector.shape_cast %swap3A_18 : vector<1x32x512xf32> to vector<32x512xf32>
    %swap3A_20 = vector.shape_cast %dot_general3A_14 : vector<32x512xf32> to vector<1x32x512xf32>
    tpu.vector_store %arg2[%swap3A_15, %swap3A_16, %swap3A_17], %swap3A_20 {strides = array<i32>} : memref<4x32x4096xf32, #tpu.memory_space<vmem>>, vector<1x32x512xf32>,
    %slice3A_21 = vector.extract_strided_slice %slice3A {offsets = [0, 64], sizes = [512, 32], strides = [1, 1]} : vector<512x256xf32> to vector<512x32xf32>
    %dot_general3A_22 = arith.constant dense<0.000000e+00> : vector<32x512xf32>
    %dot_general3A_23 = tpu.matmul %convert_element_type3A_3, %slice3A_21, %dot_general3A_22 {dimension_numbers = #tpu.dot_dimension_numbers<[1], [1], [0], [0], [0, 0, 1, 0], [], []>, transpose_lhs_hint = false} : vector<32x32xf32>, vector<512x32xf32>, vector<32x512xf32> -> vector<32x512xf32>
    %swap3A_24 = arith.constant 0 : index
    %swap3A_25 = arith.constant 0 : index
    %swap3A_26 = arith.constant 1024 : index
    %swap3A_27 = vector.load %arg2[%swap3A_24, %swap3A_25, %swap3A_26] : memref<4x32x4096xf32, #tpu.memory_space<vmem>>, vector<1x32x512xf32>
    %swap3A_28 = vector.shape_cast %swap3A_27 : vector<1x32x512xf32> to vector<32x512xf32>
    %swap3A_29 = vector.shape_cast %dot_general3A_23 : vector<32x512xf32> to vector<1x32x512xf32>
    tpu.vector_store %arg2[%swap3A_24, %swap3A_25, %swap3A_26], %swap3A_29 {strides = array<i32>} : memref<4x32x4096xf32, #tpu.memory_space<vmem>>, vector<1x32x512xf32>,
    %slice3A_30 = vector.extract_strided_slice %slice3A {offsets = [0, 96], sizes = [512, 32], strides = [1, 1]} : vector<512x256xf32> to vector<512x32xf32>
    %dot_general3A_31 = arith.constant dense<0.000000e+00> : vector<32x512xf32>
    %dot_general3A_32 = tpu.matmul %convert_element_type3A_3, %slice3A_30, %dot_general3A_31 {dimension_numbers = #tpu.dot_dimension_numbers<[1], [1], [0], [0], [0, 0, 1, 0], [], []>, transpose_lhs_hint = false} : vector<32x32xf32>, vector<512x32xf32>, vector<32x512xf32> -> vector<32x512xf32>
    %swap3A_33 = arith.constant 0 : index
    %swap3A_34 = arith.constant 0 : index
    %swap3A_35 = arith.constant 1536 : index
    %swap3A_36 = vector.load %arg2[%swap3A_33, %swap3A_34, %swap3A_35] : memref<4x32x4096xf32, #tpu.memory_space<vmem>>, vector<1x32x512xf32>
    %swap3A_37 = vector.shape_cast %swap3A_36 : vector<1x32x512xf32> to vector<32x512xf32>
    %swap3A_38 = vector.shape_cast %dot_general3A_32 : vector<32x512xf32> to vector<1x32x512xf32>
    tpu.vector_store %arg2[%swap3A_33, %swap3A_34, %swap3A_35], %swap3A_38 {strides = array<i32>} : memref<4x32x4096xf32, #tpu.memory_space<vmem>>, vector<1x32x512xf32>,
    %slice3A_39 = vector.extract_strided_slice %slice3A {offsets = [0, 128], sizes = [512, 32], strides = [1, 1]} : vector<512x256xf32> to vector<512x32xf32>
    %dot_general3A_40 = arith.constant dense<0.000000e+00> : vector<32x512xf32>
    %dot_general3A_41 = tpu.matmul %convert_element_type3A_3, %slice3A_39, %dot_general3A_40 {dimension_numbers = #tpu.dot_dimension_numbers<[1], [1], [0], [0], [0, 0, 1, 0], [], []>, transpose_lhs_hint = false} : vector<32x32xf32>, vector<512x32xf32>, vector<32x512xf32> -> vector<32x512xf32>
    %swap3A_42 = arith.constant 0 : index
    %swap3A_43 = arith.constant 0 : index
    %swap3A_44 = arith.constant 2048 : index
    %swap3A_45 = vector.load %arg2[%swap3A_42, %swap3A_43, %swap3A_44] : memref<4x32x4096xf32, #tpu.memory_space<vmem>>, vector<1x32x512xf32>
    %swap3A_46 = vector.shape_cast %swap3A_45 : vector<1x32x512xf32> to vector<32x512xf32>
    %swap3A_47 = vector.shape_cast %dot_general3A_41 : vector<32x512xf32> to vector<1x32x512xf32>
    tpu.vector_store %arg2[%swap3A_42, %swap3A_43, %swap3A_44], %swap3A_47 {strides = array<i32>} : memref<4x32x4096xf32, #tpu.memory_space<vmem>>, vector<1x32x512xf32>,
    %slice3A_48 = vector.extract_strided_slice %slice3A {offsets = [0, 160], sizes = [512, 32], strides = [1, 1]} : vector<512x256xf32> to vector<512x32xf32>
    %dot_general3A_49 = arith.constant dense<0.000000e+00> : vector<32x512xf32>
    %dot_general3A_50 = tpu.matmul %convert_element_type3A_3, %slice3A_48, %dot_general3A_49 {dimension_numbers = #tpu.dot_dimension_numbers<[1], [1], [0], [0], [0, 0, 1, 0], [], []>, transpose_lhs_hint = false} : vector<32x32xf32>, vector<512x32xf32>, vector<32x512xf32> -> vector<32x512xf32>
    %swap3A_51 = arith.constant 0 : index
    %swap3A_52 = arith.constant 0 : index
    %swap3A_53 = arith.constant 2560 : index
    %swap3A_54 = vector.load %arg2[%swap3A_51, %swap3A_52, %swap3A_53] : memref<4x32x4096xf32, #tpu.memory_space<vmem>>, vector<1x32x512xf32>
    %swap3A_55 = vector.shape_cast %swap3A_54 : vector<1x32x512xf32> to vector<32x512xf32>
    %swap3A_56 = vector.shape_cast %dot_general3A_50 : vector<32x512xf32> to vector<1x32x512xf32>
    tpu.vector_store %arg2[%swap3A_51, %swap3A_52, %swap3A_53], %swap3A_56 {strides = array<i32>} : memref<4x32x4096xf32, #tpu.memory_space<vmem>>, vector<1x32x512xf32>,
    %slice3A_57 = vector.extract_strided_slice %slice3A {offsets = [0, 192], sizes = [512, 32], strides = [1, 1]} : vector<512x256xf32> to vector<512x32xf32>
    %dot_general3A_58 = arith.constant dense<0.000000e+00> : vector<32x512xf32>
    %dot_general3A_59 = tpu.matmul %convert_element_type3A_3, %slice3A_57, %dot_general3A_58 {dimension_numbers = #tpu.dot_dimension_numbers<[1], [1], [0], [0], [0, 0, 1, 0], [], []>, transpose_lhs_hint = false} : vector<32x32xf32>, vector<512x32xf32>, vector<32x512xf32> -> vector<32x512xf32>
    %swap3A_60 = arith.constant 0 : index
    %swap3A_61 = arith.constant 0 : index
    %swap3A_62 = arith.constant 3072 : index
    %swap3A_63 = vector.load %arg2[%swap3A_60, %swap3A_61, %swap3A_62] : memref<4x32x4096xf32, #tpu.memory_space<vmem>>, vector<1x32x512xf32>
    %swap3A_64 = vector.shape_cast %swap3A_63 : vector<1x32x512xf32> to vector<32x512xf32>
    %swap3A_65 = vector.shape_cast %dot_general3A_59 : vector<32x512xf32> to vector<1x32x512xf32>
    tpu.vector_store %arg2[%swap3A_60, %swap3A_61, %swap3A_62], %swap3A_65 {strides = array<i32>} : memref<4x32x4096xf32, #tpu.memory_space<vmem>>, vector<1x32x512xf32>,
    %slice3A_66 = vector.extract_strided_slice %slice3A {offsets = [0, 224], sizes = [512, 32], strides = [1, 1]} : vector<512x256xf32> to vector<512x32xf32>
    %dot_general3A_67 = arith.constant dense<0.000000e+00> : vector<32x512xf32>
    %dot_general3A_68 = tpu.matmul %convert_element_type3A_3, %slice3A_66, %dot_general3A_67 {dimension_numbers = #tpu.dot_dimension_numbers<[1], [1], [0], [0], [0, 0, 1, 0], [], []>, transpose_lhs_hint = false} : vector<32x32xf32>, vector<512x32xf32>, vector<32x512xf32> -> vector<32x512xf32>
    %swap3A_69 = arith.constant 0 : index
    %swap3A_70 = arith.constant 0 : index
    %swap3A_71 = arith.constant 3584 : index
    %swap3A_72 = vector.load %arg2[%swap3A_69, %swap3A_70, %swap3A_71] : memref<4x32x4096xf32, #tpu.memory_space<vmem>>, vector<1x32x512xf32>
    %swap3A_73 = vector.shape_cast %swap3A_72 : vector<1x32x512xf32> to vector<32x512xf32>
    %swap3A_74 = vector.shape_cast %dot_general3A_68 : vector<32x512xf32> to vector<1x32x512xf32>
    tpu.vector_store %arg2[%swap3A_69, %swap3A_70, %swap3A_71], %swap3A_74 {strides = array<i32>} : memref<4x32x4096xf32, #tpu.memory_space<vmem>>, vector<1x32x512xf32>,
    %slice3A_75 = vector.extract_strided_slice %reshape3A {offsets = [512, 0], sizes = [512, 256], strides = [1, 1]} : vector<2048x256xf32> to vector<512x256xf32>
    %slice3A_76 = vector.extract_strided_slice %slice3A_75 {offsets = [0, 0], sizes = [512, 32], strides = [1, 1]} : vector<512x256xf32> to vector<512x32xf32>
    %dot_general3A_77 = arith.constant dense<0.000000e+00> : vector<32x512xf32>
    %dot_general3A_78 = tpu.matmul %convert_element_type3A_3, %slice3A_76, %dot_general3A_77 {dimension_numbers = #tpu.dot_dimension_numbers<[1], [1], [0], [0], [0, 0, 1, 0], [], []>, transpose_lhs_hint = false} : vector<32x32xf32>, vector<512x32xf32>, vector<32x512xf32> -> vector<32x512xf32>
    %swap3A_79 = arith.constant 1 : index
    %swap3A_80 = arith.constant 0 : index
    %swap3A_81 = arith.constant 0 : index
    %swap3A_82 = vector.load %arg2[%swap3A_79, %swap3A_80, %swap3A_81] : memref<4x32x4096xf32, #tpu.memory_space<vmem>>, vector<1x32x512xf32>
    %swap3A_83 = vector.shape_cast %swap3A_82 : vector<1x32x512xf32> to vector<32x512xf32>
    %swap3A_84 = vector.shape_cast %dot_general3A_78 : vector<32x512xf32> to vector<1x32x512xf32>
    tpu.vector_store %arg2[%swap3A_79, %swap3A_80, %swap3A_81], %swap3A_84 {strides = array<i32>} : memref<4x32x4096xf32, #tpu.memory_space<vmem>>, vector<1x32x512xf32>,
    %slice3A_85 = vector.extract_strided_slice %slice3A_75 {offsets = [0, 32], sizes = [512, 32], strides = [1, 1]} : vector<512x256xf32> to vector<512x32xf32>
    %dot_general3A_86 = arith.constant dense<0.000000e+00> : vector<32x512xf32>
    %dot_general3A_87 = tpu.matmul %convert_element_type3A_3, %slice3A_85, %dot_general3A_86 {dimension_numbers = #tpu.dot_dimension_numbers<[1], [1], [0], [0], [0, 0, 1, 0], [], []>, transpose_lhs_hint = false} : vector<32x32xf32>, vector<512x32xf32>, vector<32x512xf32> -> vector<32x512xf32>
    %swap3A_88 = arith.constant 1 : index
    %swap3A_89 = arith.constant 0 : index
    %swap3A_90 = arith.constant 512 : index
    %swap3A_91 = vector.load %arg2[%swap3A_88, %swap3A_89, %swap3A_90] : memref<4x32x4096xf32, #tpu.memory_space<vmem>>, vector<1x32x512xf32>
    %swap3A_92 = vector.shape_cast %swap3A_91 : vector<1x32x512xf32> to vector<32x512xf32>
    %swap3A_93 = vector.shape_cast %dot_general3A_87 : vector<32x512xf32> to vector<1x32x512xf32>
    tpu.vector_store %arg2[%swap3A_88, %swap3A_89, %swap3A_90], %swap3A_93 {strides = array<i32>} : memref<4x32x4096xf32, #tpu.memory_space<vmem>>, vector<1x32x512xf32>,
    %slice3A_94 = vector.extract_strided_slice %slice3A_75 {offsets = [0, 64], sizes = [512, 32], strides = [1, 1]} : vector<512x256xf32> to vector<512x32xf32>
    %dot_general3A_95 = arith.constant dense<0.000000e+00> : vector<32x512xf32>
    %dot_general3A_96 = tpu.matmul %convert_element_type3A_3, %slice3A_94, %dot_general3A_95 {dimension_numbers = #tpu.dot_dimension_numbers<[1], [1], [0], [0], [0, 0, 1, 0], [], []>, transpose_lhs_hint = false} : vector<32x32xf32>, vector<512x32xf32>, vector<32x512xf32> -> vector<32x512xf32>
    %swap3A_97 = arith.constant 1 : index
    %swap3A_98 = arith.constant 0 : index
    %swap3A_99 = arith.constant 1024 : index
    %swap3A_100 = vector.load %arg2[%swap3A_97, %swap3A_98, %swap3A_99] : memref<4x32x4096xf32, #tpu.memory_space<vmem>>, vector<1x32x512xf32>
    %swap3A_101 = vector.shape_cast %swap3A_100 : vector<1x32x512xf32> to vector<32x512xf32>
    %swap3A_102 = vector.shape_cast %dot_general3A_96 : vector<32x512xf32> to vector<1x32x512xf32>
    tpu.vector_store %arg2[%swap3A_97, %swap3A_98, %swap3A_99], %swap3A_102 {strides = array<i32>} : memref<4x32x4096xf32, #tpu.memory_space<vmem>>, vector<1x32x512xf32>,
    %slice3A_103 = vector.extract_strided_slice %slice3A_75 {offsets = [0, 96], sizes = [512, 32], strides = [1, 1]} : vector<512x256xf32> to vector<512x32xf32>
    %dot_general3A_104 = arith.constant dense<0.000000e+00> : vector<32x512xf32>
    %dot_general3A_105 = tpu.matmul %convert_element_type3A_3, %slice3A_103, %dot_general3A_104 {dimension_numbers = #tpu.dot_dimension_numbers<[1], [1], [0], [0], [0, 0, 1, 0], [], []>, transpose_lhs_hint = false} : vector<32x32xf32>, vector<512x32xf32>, vector<32x512xf32> -> vector<32x512xf32>
    %swap3A_106 = arith.constant 1 : index
    %swap3A_107 = arith.constant 0 : index
    %swap3A_108 = arith.constant 1536 : index
    %swap3A_109 = vector.load %arg2[%swap3A_106, %swap3A_107, %swap3A_108] : memref<4x32x4096xf32, #tpu.memory_space<vmem>>, vector<1x32x512xf32>
    %swap3A_110 = vector.shape_cast %swap3A_109 : vector<1x32x512xf32> to vector<32x512xf32>
    %swap3A_111 = vector.shape_cast %dot_general3A_105 : vector<32x512xf32> to vector<1x32x512xf32>
    tpu.vector_store %arg2[%swap3A_106, %swap3A_107, %swap3A_108], %swap3A_111 {strides = array<i32>} : memref<4x32x4096xf32, #tpu.memory_space<vmem>>, vector<1x32x512xf32>,
    %slice3A_112 = vector.extract_strided_slice %slice3A_75 {offsets = [0, 128], sizes = [512, 32], strides = [1, 1]} : vector<512x256xf32> to vector<512x32xf32>
    %dot_general3A_113 = arith.constant dense<0.000000e+00> : vector<32x512xf32>
    %dot_general3A_114 = tpu.matmul %convert_element_type3A_3, %slice3A_112, %dot_general3A_113 {dimension_numbers = #tpu.dot_dimension_numbers<[1], [1], [0], [0], [0, 0, 1, 0], [], []>, transpose_lhs_hint = false} : vector<32x32xf32>, vector<512x32xf32>, vector<32x512xf32> -> vector<32x512xf32>
    %swap3A_115 = arith.constant 1 : index
    %swap3A_116 = arith.constant 0 : index
    %swap3A_117 = arith.constant 2048 : index
    %swap3A_118 = vector.load %arg2[%swap3A_115, %swap3A_116, %swap3A_117] : memref<4x32x4096xf32, #tpu.memory_space<vmem>>, vector<1x32x512xf32>
    %swap3A_119 = vector.shape_cast %swap3A_118 : vector<1x32x512xf32> to vector<32x512xf32>
    %swap3A_120 = vector.shape_cast %dot_general3A_114 : vector<32x512xf32> to vector<1x32x512xf32>
    tpu.vector_store %arg2[%swap3A_115, %swap3A_116, %swap3A_117], %swap3A_120 {strides = array<i32>} : memref<4x32x4096xf32, #tpu.memory_space<vmem>>, vector<1x32x512xf32>,
    %slice3A_121 = vector.extract_strided_slice %slice3A_75 {offsets = [0, 160], sizes = [512, 32], strides = [1, 1]} : vector<512x256xf32> to vector<512x32xf32>
    %dot_general3A_122 = arith.constant dense<0.000000e+00> : vector<32x512xf32>
    %dot_general3A_123 = tpu.matmul %convert_element_type3A_3, %slice3A_121, %dot_general3A_122 {dimension_numbers = #tpu.dot_dimension_numbers<[1], [1], [0], [0], [0, 0, 1, 0], [], []>, transpose_lhs_hint = false} : vector<32x32xf32>, vector<512x32xf32>, vector<32x512xf32> -> vector<32x512xf32>
    %swap3A_124 = arith.constant 1 : index
    %swap3A_125 = arith.constant 0 : index
    %swap3A_126 = arith.constant 2560 : index
    %swap3A_127 = vector.load %arg2[%swap3A_124, %swap3A_125, %swap3A_126] : memref<4x32x4096xf32, #tpu.memory_space<vmem>>, vector<1x32x512xf32>
    %swap3A_128 = vector.shape_cast %swap3A_127 : vector<1x32x512xf32> to vector<32x512xf32>
    %swap3A_129 = vector.shape_cast %dot_general3A_123 : vector<32x512xf32> to vector<1x32x512xf32>
    tpu.vector_store %arg2[%swap3A_124, %swap3A_125, %swap3A_126], %swap3A_129 {strides = array<i32>} : memref<4x32x4096xf32, #tpu.memory_space<vmem>>, vector<1x32x512xf32>,
    %slice3A_130 = vector.extract_strided_slice %slice3A_75 {offsets = [0, 192], sizes = [512, 32], strides = [1, 1]} : vector<512x256xf32> to vector<512x32xf32>
    %dot_general3A_131 = arith.constant dense<0.000000e+00> : vector<32x512xf32>
    %dot_general3A_132 = tpu.matmul %convert_element_type3A_3, %slice3A_130, %dot_general3A_131 {dimension_numbers = #tpu.dot_dimension_numbers<[1], [1], [0], [0], [0, 0, 1, 0], [], []>, transpose_lhs_hint = false} : vector<32x32xf32>, vector<512x32xf32>, vector<32x512xf32> -> vector<32x512xf32>
    %swap3A_133 = arith.constant 1 : index
    %swap3A_134 = arith.constant 0 : index
    %swap3A_135 = arith.constant 3072 : index
    %swap3A_136 = vector.load %arg2[%swap3A_133, %swap3A_134, %swap3A_135] : memref<4x32x4096xf32, #tpu.memory_space<vmem>>, vector<1x32x512xf32>
    %swap3A_137 = vector.shape_cast %swap3A_136 : vector<1x32x512xf32> to vector<32x512xf32>
    %swap3A_138 = vector.shape_cast %dot_general3A_132 : vector<32x512xf32> to vector<1x32x512xf32>
    tpu.vector_store %arg2[%swap3A_133, %swap3A_134, %swap3A_135], %swap3A_138 {strides = array<i32>} : memref<4x32x4096xf32, #tpu.memory_space<vmem>>, vector<1x32x512xf32>,
    %slice3A_139 = vector.extract_strided_slice %slice3A_75 {offsets = [0, 224], sizes = [512, 32], strides = [1, 1]} : vector<512x256xf32> to vector<512x32xf32>
    %dot_general3A_140 = arith.constant dense<0.000000e+00> : vector<32x512xf32>
    %dot_general3A_141 = tpu.matmul %convert_element_type3A_3, %slice3A_139, %dot_general3A_140 {dimension_numbers = #tpu.dot_dimension_numbers<[1], [1], [0], [0], [0, 0, 1, 0], [], []>, transpose_lhs_hint = false} : vector<32x32xf32>, vector<512x32xf32>, vector<32x512xf32> -> vector<32x512xf32>
    %swap3A_142 = arith.constant 1 : index
    %swap3A_143 = arith.constant 0 : index
    %swap3A_144 = arith.constant 3584 : index
    %swap3A_145 = vector.load %arg2[%swap3A_142, %swap3A_143, %swap3A_144] : memref<4x32x4096xf32, #tpu.memory_space<vmem>>, vector<1x32x512xf32>
    %swap3A_146 = vector.shape_cast %swap3A_145 : vector<1x32x512xf32> to vector<32x512xf32>
    %swap3A_147 = vector.shape_cast %dot_general3A_141 : vector<32x512xf32> to vector<1x32x512xf32>
    tpu.vector_store %arg2[%swap3A_142, %swap3A_143, %swap3A_144], %swap3A_147 {strides = array<i32>} : memref<4x32x4096xf32, #tpu.memory_space<vmem>>, vector<1x32x512xf32>,
    %slice3A_148 = vector.extract_strided_slice %reshape3A {offsets = [1024, 0], sizes = [512, 256], strides = [1, 1]} : vector<2048x256xf32> to vector<512x256xf32>
    %slice3A_149 = vector.extract_strided_slice %slice3A_148 {offsets = [0, 0], sizes = [512, 32], strides = [1, 1]} : vector<512x256xf32> to vector<512x32xf32>
    %dot_general3A_150 = arith.constant dense<0.000000e+00> : vector<32x512xf32>
    %dot_general3A_151 = tpu.matmul %convert_element_type3A_3, %slice3A_149, %dot_general3A_150 {dimension_numbers = #tpu.dot_dimension_numbers<[1], [1], [0], [0], [0, 0, 1, 0], [], []>, transpose_lhs_hint = false} : vector<32x32xf32>, vector<512x32xf32>, vector<32x512xf32> -> vector<32x512xf32>
    %swap3A_152 = arith.constant 2 : index
    %swap3A_153 = arith.constant 0 : index
    %swap3A_154 = arith.constant 0 : index
    %swap3A_155 = vector.load %arg2[%swap3A_152, %swap3A_153, %swap3A_154] : memref<4x32x4096xf32, #tpu.memory_space<vmem>>, vector<1x32x512xf32>
    %swap3A_156 = vector.shape_cast %swap3A_155 : vector<1x32x512xf32> to vector<32x512xf32>
    %swap3A_157 = vector.shape_cast %dot_general3A_151 : vector<32x512xf32> to vector<1x32x512xf32>
    tpu.vector_store %arg2[%swap3A_152, %swap3A_153, %swap3A_154], %swap3A_157 {strides = array<i32>} : memref<4x32x4096xf32, #tpu.memory_space<vmem>>, vector<1x32x512xf32>,
    %slice3A_158 = vector.extract_strided_slice %slice3A_148 {offsets = [0, 32], sizes = [512, 32], strides = [1, 1]} : vector<512x256xf32> to vector<512x32xf32>
    %dot_general3A_159 = arith.constant dense<0.000000e+00> : vector<32x512xf32>
    %dot_general3A_160 = tpu.matmul %convert_element_type3A_3, %slice3A_158, %dot_general3A_159 {dimension_numbers = #tpu.dot_dimension_numbers<[1], [1], [0], [0], [0, 0, 1, 0], [], []>, transpose_lhs_hint = false} : vector<32x32xf32>, vector<512x32xf32>, vector<32x512xf32> -> vector<32x512xf32>
    %swap3A_161 = arith.constant 2 : index
    %swap3A_162 = arith.constant 0 : index
    %swap3A_163 = arith.constant 512 : index
    %swap3A_164 = vector.load %arg2[%swap3A_161, %swap3A_162, %swap3A_163] : memref<4x32x4096xf32, #tpu.memory_space<vmem>>, vector<1x32x512xf32>
    %swap3A_165 = vector.shape_cast %swap3A_164 : vector<1x32x512xf32> to vector<32x512xf32>
    %swap3A_166 = vector.shape_cast %dot_general3A_160 : vector<32x512xf32> to vector<1x32x512xf32>
    tpu.vector_store %arg2[%swap3A_161, %swap3A_162, %swap3A_163], %swap3A_166 {strides = array<i32>} : memref<4x32x4096xf32, #tpu.memory_space<vmem>>, vector<1x32x512xf32>,
    %slice3A_167 = vector.extract_strided_slice %slice3A_148 {offsets = [0, 64], sizes = [512, 32], strides = [1, 1]} : vector<512x256xf32> to vector<512x32xf32>
    %dot_general3A_168 = arith.constant dense<0.000000e+00> : vector<32x512xf32>
    %dot_general3A_169 = tpu.matmul %convert_element_type3A_3, %slice3A_167, %dot_general3A_168 {dimension_numbers = #tpu.dot_dimension_numbers<[1], [1], [0], [0], [0, 0, 1, 0], [], []>, transpose_lhs_hint = false} : vector<32x32xf32>, vector<512x32xf32>, vector<32x512xf32> -> vector<32x512xf32>
    %swap3A_170 = arith.constant 2 : index
    %swap3A_171 = arith.constant 0 : index
    %swap3A_172 = arith.constant 1024 : index
    %swap3A_173 = vector.load %arg2[%swap3A_170, %swap3A_171, %swap3A_172] : memref<4x32x4096xf32, #tpu.memory_space<vmem>>, vector<1x32x512xf32>
    %swap3A_174 = vector.shape_cast %swap3A_173 : vector<1x32x512xf32> to vector<32x512xf32>
    %swap3A_175 = vector.shape_cast %dot_general3A_169 : vector<32x512xf32> to vector<1x32x512xf32>
    tpu.vector_store %arg2[%swap3A_170, %swap3A_171, %swap3A_172], %swap3A_175 {strides = array<i32>} : memref<4x32x4096xf32, #tpu.memory_space<vmem>>, vector<1x32x512xf32>,
    %slice3A_176 = vector.extract_strided_slice %slice3A_148 {offsets = [0, 96], sizes = [512, 32], strides = [1, 1]} : vector<512x256xf32> to vector<512x32xf32>
    %dot_general3A_177 = arith.constant dense<0.000000e+00> : vector<32x512xf32>
    %dot_general3A_178 = tpu.matmul %convert_element_type3A_3, %slice3A_176, %dot_general3A_177 {dimension_numbers = #tpu.dot_dimension_numbers<[1], [1], [0], [0], [0, 0, 1, 0], [], []>, transpose_lhs_hint = false} : vector<32x32xf32>, vector<512x32xf32>, vector<32x512xf32> -> vector<32x512xf32>
    %swap3A_179 = arith.constant 2 : index
    %swap3A_180 = arith.constant 0 : index
    %swap3A_181 = arith.constant 1536 : index
    %swap3A_182 = vector.load %arg2[%swap3A_179, %swap3A_180, %swap3A_181] : memref<4x32x4096xf32, #tpu.memory_space<vmem>>, vector<1x32x512xf32>
    %swap3A_183 = vector.shape_cast %swap3A_182 : vector<1x32x512xf32> to vector<32x512xf32>
    %swap3A_184 = vector.shape_cast %dot_general3A_178 : vector<32x512xf32> to vector<1x32x512xf32>
    tpu.vector_store %arg2[%swap3A_179, %swap3A_180, %swap3A_181], %swap3A_184 {strides = array<i32>} : memref<4x32x4096xf32, #tpu.memory_space<vmem>>, vector<1x32x512xf32>,
    %slice3A_185 = vector.extract_strided_slice %slice3A_148 {offsets = [0, 128], sizes = [512, 32], strides = [1, 1]} : vector<512x256xf32> to vector<512x32xf32>
    %dot_general3A_186 = arith.constant dense<0.000000e+00> : vector<32x512xf32>
    %dot_general3A_187 = tpu.matmul %convert_element_type3A_3, %slice3A_185, %dot_general3A_186 {dimension_numbers = #tpu.dot_dimension_numbers<[1], [1], [0], [0], [0, 0, 1, 0], [], []>, transpose_lhs_hint = false} : vector<32x32xf32>, vector<512x32xf32>, vector<32x512xf32> -> vector<32x512xf32>
    %swap3A_188 = arith.constant 2 : index
    %swap3A_189 = arith.constant 0 : index
    %swap3A_190 = arith.constant 2048 : index
    %swap3A_191 = vector.load %arg2[%swap3A_188, %swap3A_189, %swap3A_190] : memref<4x32x4096xf32, #tpu.memory_space<vmem>>, vector<1x32x512xf32>
    %swap3A_192 = vector.shape_cast %swap3A_191 : vector<1x32x512xf32> to vector<32x512xf32>
    %swap3A_193 = vector.shape_cast %dot_general3A_187 : vector<32x512xf32> to vector<1x32x512xf32>
    tpu.vector_store %arg2[%swap3A_188, %swap3A_189, %swap3A_190], %swap3A_193 {strides = array<i32>} : memref<4x32x4096xf32, #tpu.memory_space<vmem>>, vector<1x32x512xf32>,
    %slice3A_194 = vector.extract_strided_slice %slice3A_148 {offsets = [0, 160], sizes = [512, 32], strides = [1, 1]} : vector<512x256xf32> to vector<512x32xf32>
    %dot_general3A_195 = arith.constant dense<0.000000e+00> : vector<32x512xf32>
    %dot_general3A_196 = tpu.matmul %convert_element_type3A_3, %slice3A_194, %dot_general3A_195 {dimension_numbers = #tpu.dot_dimension_numbers<[1], [1], [0], [0], [0, 0, 1, 0], [], []>, transpose_lhs_hint = false} : vector<32x32xf32>, vector<512x32xf32>, vector<32x512xf32> -> vector<32x512xf32>
    %swap3A_197 = arith.constant 2 : index
    %swap3A_198 = arith.constant 0 : index
    %swap3A_199 = arith.constant 2560 : index
    %swap3A_200 = vector.load %arg2[%swap3A_197, %swap3A_198, %swap3A_199] : memref<4x32x4096xf32, #tpu.memory_space<vmem>>, vector<1x32x512xf32>
    %swap3A_201 = vector.shape_cast %swap3A_200 : vector<1x32x512xf32> to vector<32x512xf32>
    %swap3A_202 = vector.shape_cast %dot_general3A_196 : vector<32x512xf32> to vector<1x32x512xf32>
    tpu.vector_store %arg2[%swap3A_197, %swap3A_198, %swap3A_199], %swap3A_202 {strides = array<i32>} : memref<4x32x4096xf32, #tpu.memory_space<vmem>>, vector<1x32x512xf32>,
    %slice3A_203 = vector.extract_strided_slice %slice3A_148 {offsets = [0, 192], sizes = [512, 32], strides = [1, 1]} : vector<512x256xf32> to vector<512x32xf32>
    %dot_general3A_204 = arith.constant dense<0.000000e+00> : vector<32x512xf32>
    %dot_general3A_205 = tpu.matmul %convert_element_type3A_3, %slice3A_203, %dot_general3A_204 {dimension_numbers = #tpu.dot_dimension_numbers<[1], [1], [0], [0], [0, 0, 1, 0], [], []>, transpose_lhs_hint = false} : vector<32x32xf32>, vector<512x32xf32>, vector<32x512xf32> -> vector<32x512xf32>
    %swap3A_206 = arith.constant 2 : index
    %swap3A_207 = arith.constant 0 : index
    %swap3A_208 = arith.constant 3072 : index
    %swap3A_209 = vector.load %arg2[%swap3A_206, %swap3A_207, %swap3A_208] : memref<4x32x4096xf32, #tpu.memory_space<vmem>>, vector<1x32x512xf32>
    %swap3A_210 = vector.shape_cast %swap3A_209 : vector<1x32x512xf32> to vector<32x512xf32>
    %swap3A_211 = vector.shape_cast %dot_general3A_205 : vector<32x512xf32> to vector<1x32x512xf32>
    tpu.vector_store %arg2[%swap3A_206, %swap3A_207, %swap3A_208], %swap3A_211 {strides = array<i32>} : memref<4x32x4096xf32, #tpu.memory_space<vmem>>, vector<1x32x512xf32>,
    %slice3A_212 = vector.extract_strided_slice %slice3A_148 {offsets = [0, 224], sizes = [512, 32], strides = [1, 1]} : vector<512x256xf32> to vector<512x32xf32>
    %dot_general3A_213 = arith.constant dense<0.000000e+00> : vector<32x512xf32>
    %dot_general3A_214 = tpu.matmul %convert_element_type3A_3, %slice3A_212, %dot_general3A_213 {dimension_numbers = #tpu.dot_dimension_numbers<[1], [1], [0], [0], [0, 0, 1, 0], [], []>, transpose_lhs_hint = false} : vector<32x32xf32>, vector<512x32xf32>, vector<32x512xf32> -> vector<32x512xf32>
    %swap3A_215 = arith.constant 2 : index
    %swap3A_216 = arith.constant 0 : index
    %swap3A_217 = arith.constant 3584 : index
    %swap3A_218 = vector.load %arg2[%swap3A_215, %swap3A_216, %swap3A_217] : memref<4x32x4096xf32, #tpu.memory_space<vmem>>, vector<1x32x512xf32>
    %swap3A_219 = vector.shape_cast %swap3A_218 : vector<1x32x512xf32> to vector<32x512xf32>
    %swap3A_220 = vector.shape_cast %dot_general3A_214 : vector<32x512xf32> to vector<1x32x512xf32>
    tpu.vector_store %arg2[%swap3A_215, %swap3A_216, %swap3A_217], %swap3A_220 {strides = array<i32>} : memref<4x32x4096xf32, #tpu.memory_space<vmem>>, vector<1x32x512xf32>,
    %slice3A_221 = vector.extract_strided_slice %reshape3A {offsets = [1536, 0], sizes = [512, 256], strides = [1, 1]} : vector<2048x256xf32> to vector<512x256xf32>
    %slice3A_222 = vector.extract_strided_slice %slice3A_221 {offsets = [0, 0], sizes = [512, 32], strides = [1, 1]} : vector<512x256xf32> to vector<512x32xf32>
    %dot_general3A_223 = arith.constant dense<0.000000e+00> : vector<32x512xf32>
    %dot_general3A_224 = tpu.matmul %convert_element_type3A_3, %slice3A_222, %dot_general3A_223 {dimension_numbers = #tpu.dot_dimension_numbers<[1], [1], [0], [0], [0, 0, 1, 0], [], []>, transpose_lhs_hint = false} : vector<32x32xf32>, vector<512x32xf32>, vector<32x512xf32> -> vector<32x512xf32>
    %swap3A_225 = arith.constant 3 : index
    %swap3A_226 = arith.constant 0 : index
    %swap3A_227 = arith.constant 0 : index
    %swap3A_228 = vector.load %arg2[%swap3A_225, %swap3A_226, %swap3A_227] : memref<4x32x4096xf32, #tpu.memory_space<vmem>>, vector<1x32x512xf32>
    %swap3A_229 = vector.shape_cast %swap3A_228 : vector<1x32x512xf32> to vector<32x512xf32>
    %swap3A_230 = vector.shape_cast %dot_general3A_224 : vector<32x512xf32> to vector<1x32x512xf32>
    tpu.vector_store %arg2[%swap3A_225, %swap3A_226, %swap3A_227], %swap3A_230 {strides = array<i32>} : memref<4x32x4096xf32, #tpu.memory_space<vmem>>, vector<1x32x512xf32>,
    %slice3A_231 = vector.extract_strided_slice %slice3A_221 {offsets = [0, 32], sizes = [512, 32], strides = [1, 1]} : vector<512x256xf32> to vector<512x32xf32>
    %dot_general3A_232 = arith.constant dense<0.000000e+00> : vector<32x512xf32>
    %dot_general3A_233 = tpu.matmul %convert_element_type3A_3, %slice3A_231, %dot_general3A_232 {dimension_numbers = #tpu.dot_dimension_numbers<[1], [1], [0], [0], [0, 0, 1, 0], [], []>, transpose_lhs_hint = false} : vector<32x32xf32>, vector<512x32xf32>, vector<32x512xf32> -> vector<32x512xf32>
    %swap3A_234 = arith.constant 3 : index
    %swap3A_235 = arith.constant 0 : index
    %swap3A_236 = arith.constant 512 : index
    %swap3A_237 = vector.load %arg2[%swap3A_234, %swap3A_235, %swap3A_236] : memref<4x32x4096xf32, #tpu.memory_space<vmem>>, vector<1x32x512xf32>
    %swap3A_238 = vector.shape_cast %swap3A_237 : vector<1x32x512xf32> to vector<32x512xf32>
    %swap3A_239 = vector.shape_cast %dot_general3A_233 : vector<32x512xf32> to vector<1x32x512xf32>
    tpu.vector_store %arg2[%swap3A_234, %swap3A_235, %swap3A_236], %swap3A_239 {strides = array<i32>} : memref<4x32x4096xf32, #tpu.memory_space<vmem>>, vector<1x32x512xf32>,
    %slice3A_240 = vector.extract_strided_slice %slice3A_221 {offsets = [0, 64], sizes = [512, 32], strides = [1, 1]} : vector<512x256xf32> to vector<512x32xf32>
    %dot_general3A_241 = arith.constant dense<0.000000e+00> : vector<32x512xf32>
    %dot_general3A_242 = tpu.matmul %convert_element_type3A_3, %slice3A_240, %dot_general3A_241 {dimension_numbers = #tpu.dot_dimension_numbers<[1], [1], [0], [0], [0, 0, 1, 0], [], []>, transpose_lhs_hint = false} : vector<32x32xf32>, vector<512x32xf32>, vector<32x512xf32> -> vector<32x512xf32>
    %swap3A_243 = arith.constant 3 : index
    %swap3A_244 = arith.constant 0 : index
    %swap3A_245 = arith.constant 1024 : index
    %swap3A_246 = vector.load %arg2[%swap3A_243, %swap3A_244, %swap3A_245] : memref<4x32x4096xf32, #tpu.memory_space<vmem>>, vector<1x32x512xf32>
    %swap3A_247 = vector.shape_cast %swap3A_246 : vector<1x32x512xf32> to vector<32x512xf32>
    %swap3A_248 = vector.shape_cast %dot_general3A_242 : vector<32x512xf32> to vector<1x32x512xf32>
    tpu.vector_store %arg2[%swap3A_243, %swap3A_244, %swap3A_245], %swap3A_248 {strides = array<i32>} : memref<4x32x4096xf32, #tpu.memory_space<vmem>>, vector<1x32x512xf32>,
    %slice3A_249 = vector.extract_strided_slice %slice3A_221 {offsets = [0, 96], sizes = [512, 32], strides = [1, 1]} : vector<512x256xf32> to vector<512x32xf32>
    %dot_general3A_250 = arith.constant dense<0.000000e+00> : vector<32x512xf32>
    %dot_general3A_251 = tpu.matmul %convert_element_type3A_3, %slice3A_249, %dot_general3A_250 {dimension_numbers = #tpu.dot_dimension_numbers<[1], [1], [0], [0], [0, 0, 1, 0], [], []>, transpose_lhs_hint = false} : vector<32x32xf32>, vector<512x32xf32>, vector<32x512xf32> -> vector<32x512xf32>
    %swap3A_252 = arith.constant 3 : index
    %swap3A_253 = arith.constant 0 : index
    %swap3A_254 = arith.constant 1536 : index
    %swap3A_255 = vector.load %arg2[%swap3A_252, %swap3A_253, %swap3A_254] : memref<4x32x4096xf32, #tpu.memory_space<vmem>>, vector<1x32x512xf32>
    %swap3A_256 = vector.shape_cast %swap3A_255 : vector<1x32x512xf32> to vector<32x512xf32>
    %swap3A_257 = vector.shape_cast %dot_general3A_251 : vector<32x512xf32> to vector<1x32x512xf32>
    tpu.vector_store %arg2[%swap3A_252, %swap3A_253, %swap3A_254], %swap3A_257 {strides = array<i32>} : memref<4x32x4096xf32, #tpu.memory_space<vmem>>, vector<1x32x512xf32>,
    %slice3A_258 = vector.extract_strided_slice %slice3A_221 {offsets = [0, 128], sizes = [512, 32], strides = [1, 1]} : vector<512x256xf32> to vector<512x32xf32>
    %dot_general3A_259 = arith.constant dense<0.000000e+00> : vector<32x512xf32>
    %dot_general3A_260 = tpu.matmul %convert_element_type3A_3, %slice3A_258, %dot_general3A_259 {dimension_numbers = #tpu.dot_dimension_numbers<[1], [1], [0], [0], [0, 0, 1, 0], [], []>, transpose_lhs_hint = false} : vector<32x32xf32>, vector<512x32xf32>, vector<32x512xf32> -> vector<32x512xf32>
    %swap3A_261 = arith.constant 3 : index
    %swap3A_262 = arith.constant 0 : index
    %swap3A_263 = arith.constant 2048 : index
    %swap3A_264 = vector.load %arg2[%swap3A_261, %swap3A_262, %swap3A_263] : memref<4x32x4096xf32, #tpu.memory_space<vmem>>, vector<1x32x512xf32>
    %swap3A_265 = vector.shape_cast %swap3A_264 : vector<1x32x512xf32> to vector<32x512xf32>
    %swap3A_266 = vector.shape_cast %dot_general3A_260 : vector<32x512xf32> to vector<1x32x512xf32>
    tpu.vector_store %arg2[%swap3A_261, %swap3A_262, %swap3A_263], %swap3A_266 {strides = array<i32>} : memref<4x32x4096xf32, #tpu.memory_space<vmem>>, vector<1x32x512xf32>,
    %slice3A_267 = vector.extract_strided_slice %slice3A_221 {offsets = [0, 160], sizes = [512, 32], strides = [1, 1]} : vector<512x256xf32> to vector<512x32xf32>
    %dot_general3A_268 = arith.constant dense<0.000000e+00> : vector<32x512xf32>
    %dot_general3A_269 = tpu.matmul %convert_element_type3A_3, %slice3A_267, %dot_general3A_268 {dimension_numbers = #tpu.dot_dimension_numbers<[1], [1], [0], [0], [0, 0, 1, 0], [], []>, transpose_lhs_hint = false} : vector<32x32xf32>, vector<512x32xf32>, vector<32x512xf32> -> vector<32x512xf32>
    %swap3A_270 = arith.constant 3 : index
    %swap3A_271 = arith.constant 0 : index
    %swap3A_272 = arith.constant 2560 : index
    %swap3A_273 = vector.load %arg2[%swap3A_270, %swap3A_271, %swap3A_272] : memref<4x32x4096xf32, #tpu.memory_space<vmem>>, vector<1x32x512xf32>
    %swap3A_274 = vector.shape_cast %swap3A_273 : vector<1x32x512xf32> to vector<32x512xf32>
    %swap3A_275 = vector.shape_cast %dot_general3A_269 : vector<32x512xf32> to vector<1x32x512xf32>
    tpu.vector_store %arg2[%swap3A_270, %swap3A_271, %swap3A_272], %swap3A_275 {strides = array<i32>} : memref<4x32x4096xf32, #tpu.memory_space<vmem>>, vector<1x32x512xf32>,
    %slice3A_276 = vector.extract_strided_slice %slice3A_221 {offsets = [0, 192], sizes = [512, 32], strides = [1, 1]} : vector<512x256xf32> to vector<512x32xf32>
    %dot_general3A_277 = arith.constant dense<0.000000e+00> : vector<32x512xf32>
    %dot_general3A_278 = tpu.matmul %convert_element_type3A_3, %slice3A_276, %dot_general3A_277 {dimension_numbers = #tpu.dot_dimension_numbers<[1], [1], [0], [0], [0, 0, 1, 0], [], []>, transpose_lhs_hint = false} : vector<32x32xf32>, vector<512x32xf32>, vector<32x512xf32> -> vector<32x512xf32>
    %swap3A_279 = arith.constant 3 : index
    %swap3A_280 = arith.constant 0 : index
    %swap3A_281 = arith.constant 3072 : index
    %swap3A_282 = vector.load %arg2[%swap3A_279, %swap3A_280, %swap3A_281] : memref<4x32x4096xf32, #tpu.memory_space<vmem>>, vector<1x32x512xf32>
    %swap3A_283 = vector.shape_cast %swap3A_282 : vector<1x32x512xf32> to vector<32x512xf32>
    %swap3A_284 = vector.shape_cast %dot_general3A_278 : vector<32x512xf32> to vector<1x32x512xf32>
    tpu.vector_store %arg2[%swap3A_279, %swap3A_280, %swap3A_281], %swap3A_284 {strides = array<i32>} : memref<4x32x4096xf32, #tpu.memory_space<vmem>>, vector<1x32x512xf32>,
    %slice3A_285 = vector.extract_strided_slice %slice3A_221 {offsets = [0, 224], sizes = [512, 32], strides = [1, 1]} : vector<512x256xf32> to vector<512x32xf32>
    %dot_general3A_286 = arith.constant dense<0.000000e+00> : vector<32x512xf32>
    %dot_general3A_287 = tpu.matmul %convert_element_type3A_3, %slice3A_285, %dot_general3A_286 {dimension_numbers = #tpu.dot_dimension_numbers<[1], [1], [0], [0], [0, 0, 1, 0], [], []>, transpose_lhs_hint = false} : vector<32x32xf32>, vector<512x32xf32>, vector<32x512xf32> -> vector<32x512xf32>
    %swap3A_288 = arith.constant 3 : index
    %swap3A_289 = arith.constant 0 : index
    %swap3A_290 = arith.constant 3584 : index
    %swap3A_291 = vector.load %arg2[%swap3A_288, %swap3A_289, %swap3A_290] : memref<4x32x4096xf32, #tpu.memory_space<vmem>>, vector<1x32x512xf32>
    %swap3A_292 = vector.shape_cast %swap3A_291 : vector<1x32x512xf32> to vector<32x512xf32>
    %swap3A_293 = vector.shape_cast %dot_general3A_287 : vector<32x512xf32> to vector<1x32x512xf32>
    tpu.vector_store %arg2[%swap3A_288, %swap3A_289, %swap3A_290], %swap3A_293 {strides = array<i32>} : memref<4x32x4096xf32, #tpu.memory_space<vmem>>, vector<1x32x512xf32>,
    return
  }
  func.func @transform_0(%arg0: i32) -> i32 {
    %c0_i32 = arith.constant 0 : i32
    return %arg0 : i32
  }
  func.func @transform_1(%arg0: i32) -> (i32, i32, i32) {
    %c0_i32 = arith.constant 0 : i32
    %c0_i32_0 = arith.constant 0 : i32
    %c0_i32_1 = arith.constant 0 : i32
    return %arg0, %c0_i32, %c0_i32_0 : i32, i32, i32
  }
}

</mosaic_0001>

<sc_bundles>
// kernel: kernel.5.cloned.1.call-start
scs
__scs_entry_jumppad:
0x0: {  	(pc) =	sbr.rel $0x88, $3  }
0x1: {  	(tag) =	ssettag $0x0;
	lr =	simm.s32 $0x1  }
0x2: {  	[smem:$0x3F9F] =	sst lr;
	_ =	strace $0xD0000000  }
0x3: {  	_ = 	snop  }
0x4: {  	_ = 	snop  }
0x5: {  	_ = 	snop  }
0x6: {  	_ = 	snop  }
0x7: {  	_ = 	snop  }
__scs_overlays_trampoline_lowered:
0x8: {  	[smem:$0x3FAE] =	sst s0  }
0x9: {  	[smem:$0x3FAF] =	sst s1  }
0xa: {  	[smem:$0x3FB0] =	sst s2  }
0xb: {  	[smem:$0x3FB1] =	sst s3  }
0xc: {  	[smem:$0x3FB2] =	sst s4  }
0xd: {  	[smem:$0x3FB3] =	sst s5  }
0xe: {  	[smem:$0x3FB4] =	sst s6  }
0xf: {  	[smem:$0x3FB5] =	sst s7  }
0x10: {  	[smem:$0x3FB6] =	sst s8  }
0x11: {  	[smem:$0x3FB7] =	sst s9;
	s0 =	simm.s32 @!p0 $0x0  }
0x12: {  	s1 =	sld [smem:$0x3F9D];
	s0 =	simm.s32 @p0 $0x1  }
0x13: {  	[smem:$0x3FB8] =	sst s0;
	s0 =	simm.s32 @!p1 $0x0  }
0x14: {  	s2 =	sld [smem:$0x3F9C];
	s0 =	simm.s32 @p1 $0x1  }
0x15: {  	[smem:$0x3FB9] =	sst s0;
	s0 =	simm.s32 @!p2 $0x0  }
0x16: {  	s3 =	sld [smem:$0x3FDB];
	s0 =	simm.s32 @p2 $0x1  }
0x17: {  	s4 =	simm.s32 $0x1BF5;
	[smem:$0x3FBB] =	sst s0  }
0x18: {  	s0 =	sld [smem:$0x3F9E];
	_ =	swait.ge [sflag:s4], $0x0  }
0x19: {  	s7 =	sld [smem:$0x3F9F]  }
0x1a: {  	s8 =	sadd.s32 $0xFFFFE003, lr  }
0x1b: {  	s9 =	sadd.s32 $0xFFFFFEF7, lr;
	s5 =	simm.s32 $0xFFFFFFFF;
	p2 =	slt.u32 s8, $0xFFFFF086  }
0x1c: {  	p1 =	slt.u32 s9, $0xF7A;
	s5 =	simm.s32 @!p2 $0x0  }
0x1d: {  	s5 =	simm.s32 @p1 $0x1;
	p0 =	seq.s32 s7, s2  }
0x1e: {  	s7 =	smul.u32 @!p0 $0xF7A, s2;
	p2 =	seq.s32 @!p0 s5, $0x0  }
0x1f: {  	s9 =	smul.u32 $0xF7A, s1;
	s8 =	simm.s32 @!p0 $0x1BF5;
	p2 =	por !p2, p0  }
0x20: {  	[sflag:s8] =	ssyncset.s32 @!p0 $0xFFFFF086;
	s6 =	sadd.s32 @!p0 s3, s7;
	s7 =	simm.s32 @!p0 $0x108  }
0x21: {  	s3 =	sadd.s32 s3, s9;
	s6 =	sadd.s32 @!p0 $0x88, s6;
	s7 =	simm.s32 @p2 $0x1082  }
0x22: {  	[simem:s7], [sflag:s8] =	dma.local @!p0 [hbm:s6], $0xF7A  }
0x23: {  	s9 =	sor.u32 $0xD0000000, s2;
	s6 =	simm.s32 $0x108;
	_ =	swait.ge @!p0 [sflag:s8], $0x0  }
0x24: {  	s3 =	sadd.s32 $0x88, s3;
	s6 =	simm.s32 @!p1 $0x1082;
	[sflag:s4] =	ssyncset.s32 $0xFFFFF086  }
0x25: {  	[simem:s6], [sflag:s4] =	dma.local [hbm:s3], $0xF7A  }
0x26: {  	[smem:$0x3F9F] =	sst s1;
	(tag) =	ssettag s2;
	_ =	strace s9  }
0x27: {  	s1 =	sld [smem:$0x3FAF]  }
0x28: {  	s2 =	sld [smem:$0x3FB0]  }
0x29: {  	s4 =	sld [smem:$0x3FB2]  }
0x2a: {  	p0 =	seq.s32 s5, $0x0;
	s5 =	sld [smem:$0x3FB3]  }
0x2b: {  	s6 =	sld [smem:$0x3FB4]  }
0x2c: {  	s7 =	sld [smem:$0x3FB5]  }
0x2d: {  	s3 =	simm.s32 $0x108;
	s8 =	sld [smem:$0x3FB6]  }
0x2e: {  	s3 =	simm.s32 @!p0 $0x1082;
	s9 =	sld [smem:$0x3FB7]  }
0x2f: {  	lr =	sadd.s32 s0, s3;
	s0 =	sld [smem:$0x3FAE]  }
0x30: {  	s3 =	sld [smem:$0x3FB1]  }
0x31: {  	[smem:$0x3FBA] =	sst s10  }
0x32: {  	s10 =	sld [smem:$0x3FB8];
	_ =	sdelay $0x3  }
0x33: {  	p0 =	seq.s32 s10, $0x1;
	s10 =	sld [smem:$0x3FBA];
	_ =	sdelay $0x3  }
0x34: {  	[smem:$0x3FBA] =	sst s10  }
0x35: {  	s10 =	sld [smem:$0x3FB9];
	_ =	sdelay $0x3  }
0x36: {  	p1 =	seq.s32 s10, $0x1;
	s10 =	sld [smem:$0x3FBA];
	_ =	sdelay $0x3  }
0x37: {  	[smem:$0x3FBA] =	sst s10  }
0x38: {  	s10 =	sld [smem:$0x3FBB]  }
0x39: {  	_ = 	snop;
	(pc) =	sbr.ind lr, $3  }
0x3a: {  	_ = 	snop  }
0x3b: {  	_ = 	snop  }
0x3c: {  	p2 =	seq.s32 s10, $0x1;
	s10 =	sld [smem:$0x3FBA]  }
0x3d: {  	_ =	shalt  }
0x3e: {  	_ =	shalt  }
0x3f: {  	_ =	shalt  }
0x40: {  	_ =	shalt  }
0x41: {  	_ =	shalt  }
0x42: {  	_ =	shalt  }
0x43: {  	_ =	shalt  }
0x44: {  	_ =	shalt  }
0x45: {  	_ =	shalt  }
0x46: {  	_ =	shalt  }
0x47: {  	_ =	shalt  }
0x48: {  	_ =	shalt  }
0x49: {  	_ =	shalt  }
0x4a: {  	_ =	shalt  }
0x4b: {  	_ =	shalt  }
0x4c: {  	_ =	shalt  }
0x4d: {  	_ =	shalt  }
0x4e: {  	_ =	shalt  }
0x4f: {  	_ =	shalt  }
0x50: {  	_ =	shalt  }
0x51: {  	_ =	shalt  }
0x52: {  	_ =	shalt  }
0x53: {  	_ =	shalt  }
0x54: {  	_ =	shalt  }
0x55: {  	_ =	shalt  }
0x56: {  	_ =	shalt  }
0x57: {  	_ =	shalt  }
0x58: {  	_ =	shalt  }
0x59: {  	_ =	shalt  }
0x5a: {  	_ =	shalt  }
0x5b: {  	_ =	shalt  }
0x5c: {  	_ =	shalt  }
0x5d: {  	_ =	shalt  }
0x5e: {  	_ =	shalt  }
0x5f: {  	_ =	shalt  }
0x60: {  	_ =	shalt  }
0x61: {  	_ =	shalt  }
0x62: {  	_ =	shalt  }
0x63: {  	_ =	shalt  }
0x64: {  	_ =	shalt  }
0x65: {  	_ =	shalt  }
0x66: {  	_ =	shalt  }
0x67: {  	_ =	shalt  }
0x68: {  	_ =	shalt  }
0x69: {  	_ =	shalt  }
0x6a: {  	_ =	shalt  }
0x6b: {  	_ =	shalt  }
0x6c: {  	_ =	shalt  }
0x6d: {  	_ =	shalt  }
0x6e: {  	_ =	shalt  }
0x6f: {  	_ =	shalt  }
0x70: {  	_ =	shalt  }
0x71: {  	_ =	shalt  }
0x72: {  	_ =	shalt  }
0x73: {  	_ =	shalt  }
0x74: {  	_ =	shalt  }
0x75: {  	_ =	shalt  }
0x76: {  	_ =	shalt  }
0x77: {  	_ =	shalt  }
0x78: {  	_ =	shalt  }
0x79: {  	_ =	shalt  }
0x7a: {  	_ =	shalt  }
0x7b: {  	_ =	shalt  }
0x7c: {  	_ =	shalt  }
0x7d: {  	_ =	shalt  }
0x7e: {  	_ =	shalt  }
0x7f: {  	_ =	shalt  }
0x80: {  	_ =	shalt  }
0x81: {  	_ =	shalt  }
0x82: {  	_ =	shalt  }
0x83: {  	_ =	shalt  }
0x84: {  	_ =	shalt  }
0x85: {  	_ =	shalt  }
0x86: {  	_ =	shalt  }
0x87: {  	_ =	shalt  }
.Lfunc_end0:
.L_simem_size_0:
called_computation_lowered:
.L_overlay_start_0:
0x88: {  	s2 =	sld [smem:$0x3FD9]  }
0x89: {  	s3 =	sld [smem:$0x3FFE];
	_ =	sdelay $0x1  }
0x8a: {  	s1 =	srdreg.scid  }
0x8b: {  	s0 =	sand.u32 $0x1, s1  }
0x8c: {  	s16 =	sshll.u32 s0, $0xA;
	s2 =	sadd.s32 s3, s2  }
0x8d: {  	s2 =	sadd.s32 s2, s16  }
0x8e: {  	[smem:$0x3FC6] =	sst s2  }
0x8f: {  	_ = 	snop  }
0x90: {  	(tm) =	ssettm $0x1  }
0x91: {  	s17 =	sld [smem:$0x3FFB];
	_ =	sdelay $0x3  }
0x92: {  	_ =	strace s17  }
0x93: {  	s2 =	sld [smem:$0x3FFC];
	_ =	sdelay $0x3  }
0x94: {  	_ =	strace s2  }
0x95: {  	s2 =	sld [smem:$0x3FFD];
	_ =	sdelay $0x3  }
0x96: {  	_ =	strace s2  }
0x97: {  	_ =	strace $0x8FFFFFFF  }
0x98: {  	s18 =	sld [smem:$0x3FDB];
	_ =	sdelay $0x1  }
0x99: {  	s19 =	simm.s32 $_scs_section_size  }
0x9a: {  	s4 =	simm.s32 $_size__tile_overlayer_lowered;
	s5 =	simm.s32 $_tile_overlayer_lowered  }
0x9b: {  	s22 =	simm.s32 $0x1BFF;
	s21 =	sshll.u32 s5, $0x1;
	s2 =	sadd.s32 s19, s18  }
0x9c: {  	s6 =	simm.s32 $0x0;
	s20 =	sshll.u32 s4, $0x1;
	s4 =	sadd.s32 s21, s2  }
0x9d: {  	[timem:s6], [sflag:s22] =	dma.local [hbm:s4], s20  }
0x9e: {  	_ =	swait.ge [sflag:s22], s20  }
0x9f: {  	s3 =	ssub.s32 $0x0, s20;
	[sflag:s22] =	ssyncset.done $0x0  }
0xa0: {  	[sflag:s22] =	ssyncadd.s32 s3;
	_ =	sdelay $0x1  }
0xa1: {  	s23 =	simm.s32 $0x1B8B  }
0xa2: {  	_ =	swait.ge [sflag:s23], $0x1  }
0xa3: {  	[sflag:s23] =	ssyncset.done $0x0  }
0xa4: {  	s25 =	simm.s32 $0x1B8E;
	s24 =	sld [smem:$0x3FFE];
	[sflag:s23] =	ssyncadd.s32 $0xFFFFFFFF  }
0xa5: {  	s26 =	simm.s32 $execute0_lowered;
	[smem:$0x3FD2] =	sst s25  }
0xa6: {  	s4 =	sshll.u32 s26, $0x1;
	_ =	strace $0x80000046;
	[dreg:$0x1] =	wrdreg $0xFFFFFFFF  }
0xa7: {  	s28 =	simm.s32 $_size_execute0_lowered;
	s2 =	sadd.s32 s2, s4;
	[dreg:$0x0] =	wrdreg $0x0  }
0xa8: {  	s4 =	sshll.u32 s28, $0x1;
	[dreg:$0x2] =	wrdreg s2  }
0xa9: {  	[dreg:$0x3] =	wrdreg s4  }
0xaa: {  	[dreg:$0x4] =	wrdreg $0xC0  }
0xab: {  	_ =	task [dreg:s6], $0x5FFFF  }
0xac: {  	[dreg:$0x1] =	wrdreg $0xFFFFFFFF  }
0xad: {  	[dreg:$0x0] =	wrdreg $0x60  }
0xae: {  	[dreg:$0x2] =	wrdreg s24  }
0xaf: {  	[dreg:$0x3] =	wrdreg $0x9  }
0xb0: {  	_ =	task.clear_ibuf [dreg:s6], $0x4FFFF;
	_ =	strace $0x90000046  }
0xb1: {  	s29 =	simm.s32 $0x9;
	_ =	strace $0x80000048  }
0xb2: {  	_ =	swait.ge [sflag:s29], $0x1  }
0xb3: {  	[sflag:s29] =	ssyncadd.s32 $0xFFFFFFFF  }
0xb4: {  	_ =	strace $0x90000048  }
0xb5: {  	_ =	sfence  }
0xb6: {  	s30 =	sld [smem:$0x0];
	_ =	sdelay $0x2  }
0xb7: {  	s31 =	sshll.u32 s1, $0xD;
	s1 =	sshrl.u32 s1, $0x2  }
0xb8: {  	s3 =	sand.u32 $0x4000, s31;
	s1 =	sadd.s32 s1, s30  }
0xb9: {  	s0 =	sor.u32 s3, s0;
	s1 =	sshll.u32 s1, $0x11  }
0xba: {  	s0 =	sor.u32 s1, s0  }
0xbb: {  	s0 =	sadd.s32 $0x8F2B, s0  }
0xbc: {  	[sflag:s0] =	ssyncadd.remote.s32 $0x1  }
0xbd: {  	_ =	sfence.sel $0xFFFF  }
0xbe: {  	[dreg:$0x0] =	wrdreg $0xFFFFFFFF;
	(pc) =	sbr.abs _section_cstart, $3  }
0xbf: {  	[dreg:$0x1] =	wrdreg $0xFFFFFFFF  }
0xc0: {  	_ =	task.clear_ibuf [dreg:s6], $0x2FFFF;
	_ =	strace $0x9FFFFFFF  }
0xc1: {  	(tm) =	ssettm $0x7FFFFFFF  }
tec
execute0_lowered:
.L_overlay_start_1:
0x0: {  	(tag) =	ssettag $0x1  }
0x1: {  	s0 =	srdreg.scid;
	s8 =	stileid.u32  }
0x2: {  	s4 =	rddreg [dreg:$0x0];
	s2 =	simm.s32 $0x0;
	s14 =	simm.s32 $0x9  }
0x3: {  	s15 =	simm.s32 $0x280;
	s16 =	simm.s32 $0x6400;
	s17 =	simm.s32 $0xB400  }
0x4: {  	s18 =	simm.s32 $0x1;
	s20 =	simm.s32 $0x10400;
	s21 =	simm.s32 $0x2  }
0x5: {  	s23 =	simm.s32 $0x15400;
	s24 =	simm.s32 $0x3;
	s25 =	simm.s32 $0x5  }
0x6: {  	s28 =	simm.s32 $0x6;
	s29 =	simm.s32 $0x7;
	s30 =	simm.s32 $0x8  }
0x7: {  	s0 =	sand.u32 $0x1, s0;
	s1 =	sshll.u32 s8, $0x1;
	s8 =	smul.u32 $0xC800, s8  }
0x8: {  	s1 =	sor.u32 s0, s1;
	s7 =	ssub.s32 $0x2, s0;
	s0 =	smul.u32 $0x6400, s0  }
0x9: {  	s31 =	simm.s32 $0x0;
	[smem:$0x7FF] =	sst s2;
	s3 =	smul.u32 $0x6400, s1  }
0xa: {  	s10 =	sadd.s32 $0x3F9400, s4;
	s5 =	smul.u32 $0x19000, s1;
	s9 =	sshrl.u32 s7, $0x1  }
0xb: {  	_ =	strace $0x80000047;
	s1 =	smul.u32 $0xC8000, s1;
	s9 =	ssub.s32 s7, s9  }
0xc: {  	s0 =	sadd.s32 s0, s8;
	s3 =	sshrl.u32 s3, $0x3;
	s5 =	sadd.s32 s10, s5  }
0xd: {  	s1 =	sshrl.u32 s1, $0x3;
	s0 =	sshll.u32 s0, $0x2;
	s9 =	smax.u32 s9, $0x1  }
0xe: {  	s6 =	sadd.s32 s3, s4;
	s3 =	sadd.s32 $0x19400, s4;
	s1 =	sadd.s32 s10, s1  }
0xf: {  	s26 =	sadd.s32 $0x20001E00, s0;
	s0 =	sadd.s32 s10, s0;
	s4 =	sadd.s32 $0x400, s6  }
0x10: {  	s6 =	sadd.s32 $0xA00, s5;
	s7 =	sadd.s32 $0x1400, s1;
	s8 =	sadd.s32 $0x18600, s1  }
0x11: {  	s1 =	sand.u32 $0xFFFE00, s26;
	s11 =	sadd.s32 $0x3C00, s0;
	s12 =	sadd.s32 $0x3200, s0  }
0x12: {  	s13 =	sadd.s32 $0x2800, s0;
	s26 =	simm.s32 $0x4;
	s10 =	sadd.s32 s1, s10  }
.LBB2_1:
0x13: {  	[tilespmem:s2], [sflag:$0x9] =	stream.linear.gather [hbm4b:s4+s2], $0x6400, $0x38;
	[tilespmem:$0x1A400] =	vst v63  }
0x14: {  	_ =	swait.ge [sflag:s14], $0x6400  }
0x15: {  	[sflag:s14] =	ssyncset.done $0x0  }
0x16: {  	s0 =	simm.s32 $0x0;
	s1 =	simm.s32 $0x40;
	[sflag:s14] =	ssyncadd.s32 $0xFFFF9C00  }
.LBB2_2:
0x17: {  	p0 =	sne.s32 s1, $0x18FC0;
	v0 =	vld [tilespmem:s0+$0x0];
	_ =	sdelay $0x4  }
.Ltmp0:
0x18: {  	v1 =	vshll.u32 v0, $0x2;
	(pc) =	sbr.rel @p0 .LBB2_2-.Ltmp0, $4  }
0x19: {  	v2 =	vand.u32 $0xFFFF8000, v0;
	v0 =	vshrl.u32 v0, $0xD;
	v1 =	vand.u32 $0x7FFC, v1  }
0x1a: {  	v0 =	vand.u32 $0x3, v0;
	v1 =	vor.u32 v2, v1  }
0x1b: {  	v0 =	vor.u32 v0, v1  }
0x1c: {  	[tilespmem:s0+$0x0] =	vst v0;
	s0 =	sshra.s32 s1, $0x2;
	s1 =	sadd.s32 $0x40, s1  }
0x1d: {  	v0 =	vld [tilespmem:s0+$0x0];
	_ =	sdelay $0x4  }
0x1e: {  	v1 =	vshll.u32 v0, $0x2  }
0x1f: {  	v2 =	vand.u32 $0xFFFF8000, v0;
	v0 =	vshrl.u32 v0, $0xD;
	v1 =	vand.u32 $0x7FFC, v1  }
0x20: {  	v0 =	vand.u32 $0x3, v0;
	v1 =	vor.u32 v2, v1  }
0x21: {  	v0 =	vor.u32 v0, v1  }
0x22: {  	s22 =	simm.s32 $0x0;
	[tilespmem:s0+$0x0] =	vst v0  }
0x23: {  	[tilespmem:s16], [sflag:$0x1] =	stream.indirect.gather [hbm4b:s3+s15], $0x20, s22, s15, $0xb8;
	[tilespmem:$0x1A400] =	vst v63  }
0x24: {  	_ = 	snop  }
0x25: {  	[tilespmem:s17], [sflag:$0x2] =	stream.indirect.gather [hbm4b:s3+s15], $0x20, s15, s15, $0xb8;
	[tilespmem:$0x1A400] =	vst v63  }
0x26: {  	_ =	swait.ge [sflag:s18], $0x5000  }
0x27: {  	[sflag:s18] =	ssyncset.done $0x0  }
0x28: {  	[sflag:s18] =	ssyncadd.s32 $0xFFFFB000  }
0x29: {  	[hbm4b:s5+s22] =	stream.linear.scatter [tilespmem:s16], [sflag:$0x5], $0x5000, $0x38;
	[tilespmem:$0x1A400] =	vst v63  }
0x2a: {  	s1 =	simm.s32 $0x500  }
0x2b: {  	[tilespmem:s20], [sflag:$0x3] =	stream.indirect.gather [hbm4b:s3+s15], $0x20, s1, s15, $0xb8;
	[tilespmem:$0x1A400] =	vst v63  }
0x2c: {  	_ =	swait.ge [sflag:s21], $0x5000  }
0x2d: {  	[sflag:s21] =	ssyncset.done $0x0  }
0x2e: {  	[sflag:s21] =	ssyncadd.s32 $0xFFFFB000  }
0x2f: {  	[hbm4b:s6+s22] =	stream.linear.scatter [tilespmem:s17], [sflag:$0x6], $0x5000, $0x38;
	[tilespmem:$0x1A400] =	vst v63  }
0x30: {  	s19 =	simm.s32 $0x780  }
0x31: {  	[tilespmem:s23], [sflag:$0x4] =	stream.indirect.gather [hbm4b:s3+s15], $0x20, s19, s15, $0xb8;
	[tilespmem:$0x1A400] =	vst v63  }
0x32: {  	_ =	swait.ge [sflag:s24], $0x5000  }
0x33: {  	[sflag:s24] =	ssyncset.done $0x0  }
0x34: {  	[sflag:s24] =	ssyncadd.s32 $0xFFFFB000  }
0x35: {  	[hbm4b:s7+s22] =	stream.linear.scatter [tilespmem:s20], [sflag:$0x7], $0x5000, $0x38;
	[tilespmem:$0x1A400] =	vst v63  }
0x36: {  	_ =	swait.ge [sflag:s25], $0x5000  }
0x37: {  	[sflag:s25] =	ssyncset.done $0x0  }
0x38: {  	s22 =	simm.s32 $0xA00;
	[sflag:s25] =	ssyncadd.s32 $0xFFFFB000  }
0x39: {  	[tilespmem:s16], [sflag:$0x1] =	stream.indirect.gather [hbm4b:s3+s15], $0x20, s22, s15, $0xb8;
	[tilespmem:$0x1A400] =	vst v63  }
0x3a: {  	_ =	swait.ge [sflag:s26], $0x5000  }
0x3b: {  	[sflag:s26] =	ssyncset.done $0x0  }
0x3c: {  	s1 =	sadd.s32 $0x0, s10;
	[sflag:s26] =	ssyncadd.s32 $0xFFFFB000  }
0x3d: {  	[hbm4b:s1+s2] =	stream.linear.scatter [tilespmem:s23], [sflag:$0x8], $0x5000, $0x38;
	[tilespmem:$0x1A400] =	vst v63  }
0x3e: {  	_ =	swait.ge [sflag:s28], $0x5000  }
0x3f: {  	[sflag:s28] =	ssyncset.done $0x0  }
0x40: {  	s19 =	simm.s32 $0xC80;
	[sflag:s28] =	ssyncadd.s32 $0xFFFFB000  }
0x41: {  	[tilespmem:s17], [sflag:$0x2] =	stream.indirect.gather [hbm4b:s3+s15], $0x20, s19, s15, $0xb8;
	[tilespmem:$0x1A400] =	vst v63  }
0x42: {  	_ =	swait.ge [sflag:s18], $0x5000  }
0x43: {  	[sflag:s18] =	ssyncset.done $0x0  }
0x44: {  	s22 =	sadd.s32 $0x0, s13;
	[sflag:s18] =	ssyncadd.s32 $0xFFFFB000  }
0x45: {  	[hbm4b:s22+s2] =	stream.linear.scatter [tilespmem:s16], [sflag:$0x5], $0x5000, $0x38;
	[tilespmem:$0x1A400] =	vst v63  }
0x46: {  	_ =	swait.ge [sflag:s29], $0x5000  }
0x47: {  	[sflag:s29] =	ssyncset.done $0x0  }
0x48: {  	s1 =	simm.s32 $0xF00;
	[sflag:s29] =	ssyncadd.s32 $0xFFFFB000  }
0x49: {  	[tilespmem:s20], [sflag:$0x3] =	stream.indirect.gather [hbm4b:s3+s15], $0x20, s1, s15, $0xb8;
	[tilespmem:$0x1A400] =	vst v63  }
0x4a: {  	_ =	swait.ge [sflag:s21], $0x5000  }
0x4b: {  	[sflag:s21] =	ssyncset.done $0x0  }
0x4c: {  	s19 =	sadd.s32 $0x0, s12;
	[sflag:s21] =	ssyncadd.s32 $0xFFFFB000  }
0x4d: {  	[hbm4b:s19+s2] =	stream.linear.scatter [tilespmem:s17], [sflag:$0x6], $0x5000, $0x38;
	[tilespmem:$0x1A400] =	vst v63  }
0x4e: {  	_ =	swait.ge [sflag:s30], $0x5000  }
0x4f: {  	[sflag:s30] =	ssyncset.done $0x0  }
0x50: {  	s22 =	simm.s32 $0x1180;
	[sflag:s30] =	ssyncadd.s32 $0xFFFFB000  }
0x51: {  	[tilespmem:s23], [sflag:$0x4] =	stream.indirect.gather [hbm4b:s3+s15], $0x20, s22, s15, $0xb8;
	[tilespmem:$0x1A400] =	vst v63  }
0x52: {  	_ =	swait.ge [sflag:s24], $0x5000  }
0x53: {  	[sflag:s24] =	ssyncset.done $0x0  }
0x54: {  	s0 =	sadd.s32 $0x0, s11;
	s1 =	simm.s32 $0x2800;
	[sflag:s24] =	ssyncadd.s32 $0xFFFFB000  }
.LBB2_4:
0x55: {  	[hbm4b:s0+s2] =	stream.linear.scatter [tilespmem:s20], [sflag:$0x7], $0x5000, $0x38;
	[tilespmem:$0x1A400] =	vst v63  }
0x56: {  	s0 =	smov.u32 s1  }
0x57: {  	p0 =	sne.s32 s1, $0x14000;
	s1 =	sadd.s32 $0x2800, s1;
	_ =	swait.ge [sflag:s25], $0x5000  }
0x58: {  	s19 =	sshra.s32 s0, $0x2;
	[sflag:s25] =	ssyncset.done $0x0  }
0x59: {  	s22 =	sadd.s32 $0xA00, s19;
	[sflag:s25] =	ssyncadd.s32 $0xFFFFB000  }
0x5a: {  	[tilespmem:s16], [sflag:$0x1] =	stream.indirect.gather [hbm4b:s3+s15], $0x20, s22, s15, $0xb8;
	[tilespmem:$0x1A400] =	vst v63  }
0x5b: {  	_ =	swait.ge [sflag:s26], $0x5000  }
0x5c: {  	[sflag:s26] =	ssyncset.done $0x0  }
0x5d: {  	s22 =	sadd.s32 s0, s10;
	[sflag:s26] =	ssyncadd.s32 $0xFFFFB000  }
0x5e: {  	[hbm4b:s22+s2] =	stream.linear.scatter [tilespmem:s23], [sflag:$0x8], $0x5000, $0x38;
	[tilespmem:$0x1A400] =	vst v63  }
0x5f: {  	_ =	swait.ge [sflag:s28], $0x5000  }
0x60: {  	[sflag:s28] =	ssyncset.done $0x0  }
0x61: {  	s22 =	sadd.s32 $0xC80, s19;
	[sflag:s28] =	ssyncadd.s32 $0xFFFFB000  }
0x62: {  	[tilespmem:s17], [sflag:$0x2] =	stream.indirect.gather [hbm4b:s3+s15], $0x20, s22, s15, $0xb8;
	[tilespmem:$0x1A400] =	vst v63  }
0x63: {  	_ =	swait.ge [sflag:s18], $0x5000  }
0x64: {  	[sflag:s18] =	ssyncset.done $0x0  }
0x65: {  	s22 =	sadd.s32 s0, s13;
	[sflag:s18] =	ssyncadd.s32 $0xFFFFB000  }
0x66: {  	[hbm4b:s22+s2] =	stream.linear.scatter [tilespmem:s16], [sflag:$0x5], $0x5000, $0x38;
	[tilespmem:$0x1A400] =	vst v63  }
0x67: {  	_ =	swait.ge [sflag:s29], $0x5000  }
0x68: {  	[sflag:s29] =	ssyncset.done $0x0  }
0x69: {  	s22 =	sadd.s32 $0xF00, s19;
	[sflag:s29] =	ssyncadd.s32 $0xFFFFB000  }
0x6a: {  	[tilespmem:s20], [sflag:$0x3] =	stream.indirect.gather [hbm4b:s3+s15], $0x20, s22, s15, $0xb8;
	[tilespmem:$0x1A400] =	vst v63  }
0x6b: {  	_ =	swait.ge [sflag:s21], $0x5000  }
0x6c: {  	[sflag:s21] =	ssyncset.done $0x0  }
0x6d: {  	s22 =	sadd.s32 s0, s12;
	[sflag:s21] =	ssyncadd.s32 $0xFFFFB000  }
0x6e: {  	[hbm4b:s22+s2] =	stream.linear.scatter [tilespmem:s17], [sflag:$0x6], $0x5000, $0x38;
	[tilespmem:$0x1A400] =	vst v63  }
0x6f: {  	_ =	swait.ge [sflag:s30], $0x5000  }
0x70: {  	[sflag:s30] =	ssyncset.done $0x0  }
.Ltmp1:
0x71: {  	s19 =	sadd.s32 $0x1180, s19;
	[sflag:s30] =	ssyncadd.s32 $0xFFFFB000;
	(pc) =	sbr.rel @p0 .LBB2_4-.Ltmp1, $4  }
0x72: {  	[tilespmem:s23], [sflag:$0x4] =	stream.indirect.gather [hbm4b:s3+s15], $0x20, s19, s15, $0xb8;
	[tilespmem:$0x1A400] =	vst v63  }
0x73: {  	_ =	swait.ge [sflag:s24], $0x5000  }
0x74: {  	[sflag:s24] =	ssyncset.done $0x0  }
0x75: {  	s0 =	sadd.s32 s0, s11;
	[sflag:s24] =	ssyncadd.s32 $0xFFFFB000  }
0x76: {  	[hbm4b:s0+s2] =	stream.linear.scatter [tilespmem:s20], [sflag:$0x7], $0x5000, $0x38;
	[tilespmem:$0x1A400] =	vst v63  }
0x77: {  	_ =	swait.ge [sflag:s26], $0x5000  }
0x78: {  	[sflag:s26] =	ssyncset.done $0x0  }
0x79: {  	[sflag:s26] =	ssyncadd.s32 $0xFFFFB000  }
0x7a: {  	[hbm4b:s8+s2] =	stream.linear.scatter [tilespmem:s23], [sflag:$0x8], $0x5000, $0x38;
	[tilespmem:$0x1A400] =	vst v63  }
0x7b: {  	_ =	swait.ge [sflag:s25], $0x5000  }
0x7c: {  	[sflag:s25] =	ssyncset.done $0x0  }
0x7d: {  	[sflag:s25] =	ssyncadd.s32 $0xFFFFB000  }
0x7e: {  	_ =	swait.ge [sflag:s28], $0x5000  }
0x7f: {  	[sflag:s28] =	ssyncset.done $0x0  }
0x80: {  	s31 =	sadd.s32 $0x1, s31;
	[sflag:s28] =	ssyncadd.s32 $0xFFFFB000  }
0x81: {  	p0 =	sne.s32 s31, s9;
	_ =	swait.ge [sflag:s29], $0x5000  }
.Ltmp2:
0x82: {  	[sflag:s29] =	ssyncset.done $0x0;
	(pc) =	sbr.rel @p0 .LBB2_1-.Ltmp2, $4  }
0x83: {  	[sflag:s29] =	ssyncadd.s32 $0xFFFFB000  }
0x84: {  	_ =	swait.ge [sflag:s30], $0x5000  }
0x85: {  	[sflag:s30] =	ssyncset.done $0x0  }
0x86: {  	[sflag:s30] =	ssyncadd.s32 $0xFFFFB000  }
0x87: {  	_ =	sfence.sel $0x180000  }
0x88: {  	[bflag:$0x0] =	sbarrier.arrive $0xFFFF  }
0x89: {  	_ =	strace $0x90000047  }
0x8a: {  	s0 =	stileid.u32;
	[bflag:$0x2] =	sbarrier.arrive $0xFFFF  }
0x8b: {  	p0 =	sne.s32 s0, $0x0;
	s0 =	rddreg [dreg:$0x1]  }
0x8c: {  	s0 =	sadd.s32 @!p0 $0x100000, s0  }
0x8d: {  	[sflag:s0] =	ssyncadd.tile.s32 @!p0 $0x1;
	_ =	shalt  }
.Lfunc_end2:
_tile_overlayer_lowered:
.L_overlay_start_2:
0x8e: {  	(tag) =	ssettag $0x2  }
0x8f: {  	s0 =	rddreg [dreg:$0x0];
	s2 =	stileid.u32  }
0x90: {  	s1 =	rddreg [dreg:$0x1];
	p0 =	sne.s32 s2, $0x0  }
0x91: {  	s3 =	rddreg [dreg:$0x2];
	[bflag:$0x3] =	sbarrier.arrive $0xFFFF;
	s2 =	simm.s32 @!p0 $0x1C09  }
0x92: {  	[timem:s3], [sflag:s2] =	dma.local @!p0 [hbm:s0], s1  }
0x93: {  	s0 =	simm.s32 @!p0 $0x9  }
0x94: {  	_ =	swait.ge @!p0 [sflag:s0], s1  }
0x95: {  	s1 =	ssub.s32 @!p0 $0x0, s1;
	[sflag:s0] =	ssyncset.done @!p0 $0x0  }
0x96: {  	[sflag:s0] =	ssyncadd.s32 @!p0 s1  }
0x97: {  	[bflag:$0x3] =	sbarrier.arrive $0xFFFF  }
0x98: {  	_ =	shalt  }

</sc_bundles>
